<compile_context>
chip_gen: v7x
topology: tpu7x:2x2x1
jax: 0.10.2.dev20260603
libtpu: 0.0.44.dev20260713+nightly
codegen_flags: <defaults>
</compile_context>

<pallas_src>
import functools

import jax
import jax.numpy as jnp
from jax import lax
from jax.experimental import pallas as pl
from jax.experimental.pallas import tpu as pltpu
from jax.experimental.pallas import tpu_sc as plsc

B = 16384
D = 128
NC = 2
NS = 16
NW = NC * NS
BPW = B // NW

CH = 64
NCHT = BPW // CH
NCHK = 2 * NCHT
NBUF = 12
AHEAD = 6


def _gather_body(xt_hbm, w_hbm, h_hbm, z_out,
                 idxu_v, idxv_v, *bufs_and_sems):
    fbufs = bufs_and_sems[:NBUF]
    gsems = bufs_and_sems[NBUF:2 * NBUF]
    wsems = bufs_and_sems[2 * NBUF:3 * NBUF]
    wid = lax.axis_index("s") * NC + lax.axis_index("c")
    base = wid * BPW
    pltpu.sync_copy(xt_hbm.at[0, pl.ds(base, BPW)], idxu_v)
    pltpu.sync_copy(xt_hbm.at[1, pl.ds(base, BPW)], idxv_v)

    def chunk(j):
        t, c = divmod(j, NCHT)
        idx = (idxu_v, idxv_v)[t]
        tab = (w_hbm, h_hbm)[t]
        return tab, idx.at[pl.ds(c * CH, CH)], t, base + c * CH

    def fire_gather(j):
        tab, idxsl, _, _ = chunk(j)
        return pltpu.async_copy(tab.at[idxsl], fbufs[j % NBUF],
                                gsems[j % NBUF])

    gd = [None] * NCHK
    wd = [None] * NCHK
    for j in range(min(AHEAD, NCHK)):
        gd[j] = fire_gather(j)
    for k in range(NCHK):
        j = k + AHEAD
        if j < NCHK:
            if j >= NBUF:
                wd[j - NBUF].wait()
            gd[j] = fire_gather(j)
        gd[k].wait()
        _, _, t, off = chunk(k)
        wd[k] = pltpu.async_copy(fbufs[k % NBUF],
                                 z_out.at[t, pl.ds(off, CH)],
                                 wsems[k % NBUF])
    for k in range(max(0, NCHK - NBUF), NCHK):
        wd[k].wait()


@functools.cache
def _gather():
    return pl.kernel(
        _gather_body,
        mesh=plsc.VectorSubcoreMesh(core_axis_name="c", subcore_axis_name="s"),
        out_type=[
            jax.ShapeDtypeStruct((2, B, D), jnp.float32),
        ],
        scratch_types=(
            [pltpu.VMEM((BPW,), jnp.int32),
             pltpu.VMEM((BPW,), jnp.int32)]
            + [pltpu.VMEM((CH, D), jnp.float32) for _ in range(NBUF)]
            + [pltpu.SemaphoreType.DMA for _ in range(2 * NBUF)]
        ),
    )


BLK = 2048


def _mlp_body(u_ref, v_ref, a_ref, bm_ref, b1_ref, w2_ref, o_ref):
    h = jnp.dot(u_ref[0], a_ref[:], preferred_element_type=jnp.float32)
    h = h + jnp.dot(v_ref[0], bm_ref[:], preferred_element_type=jnp.float32)
    h = jnp.maximum(h + b1_ref[:][None, :], 0.0)
    o_ref[:] = jnp.dot(h, w2_ref[:], preferred_element_type=jnp.float32)


def _mlp(z, a, bm, b1, w2pad):
    return pl.pallas_call(
        _mlp_body,
        grid=(B // BLK,),
        in_specs=[
            pl.BlockSpec((1, BLK, D), lambda i: (0, i, 0)),
            pl.BlockSpec((1, BLK, D), lambda i: (1, i, 0)),
            pl.BlockSpec((D, D), lambda i: (0, 0)),
            pl.BlockSpec((D, D), lambda i: (0, 0)),
            pl.BlockSpec((D,), lambda i: (0,)),
            pl.BlockSpec((D, D), lambda i: (0, 0)),
        ],
        out_specs=pl.BlockSpec((BLK, D), lambda i: (i, 0)),
        out_shape=jax.ShapeDtypeStruct((B, D), jnp.float32),
        compiler_params=pltpu.CompilerParams(
            dimension_semantics=("arbitrary",),
        ),
    )(z, z, a, bm, b1, w2pad)


def kernel(x, W, H, W1, b1, W2):
    xt = x.T
    (z,) = _gather()(xt, W, H)
    a = W1[:, :D].T
    bm = W1[:, D:].T
    w2pad = jnp.zeros((D, D), jnp.float32).at[:, 0].set(W2[0])
    out = _mlp(z, a, bm, b1, w2pad)
    return out[:, :1]

# --- scband reference (transcript-rebuilt; emitter-appended) ---
"""Pipeline reference for scband-ncf-12421045420617 (READ-ONLY COPY).

The authoritative reference and input builder live on the scoring server;
editing this copy changes nothing except your own understanding.
"""

import jax, jax.numpy as jnp
import numpy as np

NUM_DRUGS = 100000
NUM_ADRS = 100000
EMB_K = 128
BATCH = 16384

def setup_inputs(seed: int = 0) -> dict:
    key = jax.random.key(seed)
    k1, k2, k3, k4, k5, k6 = jax.random.split(key, 6)
    x = jax.random.randint(k1, (BATCH, 2), 0, NUM_DRUGS, dtype=jnp.int64) if jax.config.jax_enable_x64 else jax.random.randint(k1, (BATCH, 2), 0, NUM_DRUGS, dtype=jnp.int32)
    W = jax.random.normal(k2, (NUM_DRUGS, EMB_K), dtype=jnp.float32)
    H = jax.random.normal(k3, (NUM_ADRS, EMB_K), dtype=jnp.float32)
    # linear_1: (2*EMB_K) -> EMB_K  (torch Linear weight shape [out, in])
    lim1 = 1.0 / np.sqrt(2 * EMB_K)
    W1 = jax.random.uniform(k4, (EMB_K, 2 * EMB_K), dtype=jnp.float32, minval=-lim1, maxval=lim1)
    b1 = jax.random.uniform(k5, (EMB_K,), dtype=jnp.float32, minval=-lim1, maxval=lim1)
    # linear_2: EMB_K -> 1, no bias
    lim2 = 1.0 / np.sqrt(EMB_K)
    W2 = jax.random.uniform(k6, (1, EMB_K), dtype=jnp.float32, minval=-lim2, maxval=lim2)
    return {"x": x, "W": W, "H": H, "W1": W1, "b1": b1, "W2": W2}

def reference(x, W, H, W1, b1, W2):
    user_idx = x[:, 0]
    item_idx = x[:, 1]
    U_emb = jnp.take(W, user_idx, axis=0)
    V_emb = jnp.take(H, item_idx, axis=0)
    z_emb = jnp.concatenate([U_emb, V_emb], axis=1)
    h1 = z_emb @ W1.T + b1
    h1 = jax.nn.relu(h1)
    out = h1 @ W2.T
    return out

if __name__ == "__main__":
    import jax
    _d = setup_inputs()
    print(jax.jit(kernel)(*tuple(_d.values())))

</pallas_src>

<mosaic_0001>
#map = affine_map<(d0, d1) -> (0, 0)>
#map1 = affine_map<(d0, d1) -> (0, 0, 0)>
module attributes {stable_mosaic.version = 14 : i64} {
  func.func @_gather_body(%arg0: i32, %arg1: i32, %arg2: memref<2x16384xi32, #tpu.memory_space<hbm>>, %arg3: memref<100000x128xf32, #tpu.memory_space<hbm>>, %arg4: memref<100000x128xf32, #tpu.memory_space<hbm>>, %arg5: memref<2x16384x128xf32, #tpu.memory_space<hbm>>, %arg6: memref<512xi32, #tpu.memory_space<vmem>>, %arg7: memref<512xi32, #tpu.memory_space<vmem>>, %arg8: memref<64x128xf32, #tpu.memory_space<vmem>>, %arg9: memref<64x128xf32, #tpu.memory_space<vmem>>, %arg10: memref<64x128xf32, #tpu.memory_space<vmem>>, %arg11: memref<64x128xf32, #tpu.memory_space<vmem>>, %arg12: memref<64x128xf32, #tpu.memory_space<vmem>>, %arg13: memref<64x128xf32, #tpu.memory_space<vmem>>, %arg14: memref<64x128xf32, #tpu.memory_space<vmem>>, %arg15: memref<64x128xf32, #tpu.memory_space<vmem>>, %arg16: memref<64x128xf32, #tpu.memory_space<vmem>>, %arg17: memref<64x128xf32, #tpu.memory_space<vmem>>, %arg18: memref<64x128xf32, #tpu.memory_space<vmem>>, %arg19: memref<64x128xf32, #tpu.memory_space<vmem>>, %arg20: memref<!tpu.dma_semaphore, #tpu.memory_space<semaphore_mem>>, %arg21: memref<!tpu.dma_semaphore, #tpu.memory_space<semaphore_mem>>, %arg22: memref<!tpu.dma_semaphore, #tpu.memory_space<semaphore_mem>>, %arg23: memref<!tpu.dma_semaphore, #tpu.memory_space<semaphore_mem>>, %arg24: memref<!tpu.dma_semaphore, #tpu.memory_space<semaphore_mem>>, %arg25: memref<!tpu.dma_semaphore, #tpu.memory_space<semaphore_mem>>, %arg26: memref<!tpu.dma_semaphore, #tpu.memory_space<semaphore_mem>>, %arg27: memref<!tpu.dma_semaphore, #tpu.memory_space<semaphore_mem>>, %arg28: memref<!tpu.dma_semaphore, #tpu.memory_space<semaphore_mem>>, %arg29: memref<!tpu.dma_semaphore, #tpu.memory_space<semaphore_mem>>, %arg30: memref<!tpu.dma_semaphore, #tpu.memory_space<semaphore_mem>>, %arg31: memref<!tpu.dma_semaphore, #tpu.memory_space<semaphore_mem>>, %arg32: memref<!tpu.dma_semaphore, #tpu.memory_space<semaphore_mem>>, %arg33: memref<!tpu.dma_semaphore, #tpu.memory_space<semaphore_mem>>, %arg34: memref<!tpu.dma_semaphore, #tpu.memory_space<semaphore_mem>>, %arg35: memref<!tpu.dma_semaphore, #tpu.memory_space<semaphore_mem>>, %arg36: memref<!tpu.dma_semaphore, #tpu.memory_space<semaphore_mem>>, %arg37: memref<!tpu.dma_semaphore, #tpu.memory_space<semaphore_mem>>, %arg38: memref<!tpu.dma_semaphore, #tpu.memory_space<semaphore_mem>>, %arg39: memref<!tpu.dma_semaphore, #tpu.memory_space<semaphore_mem>>, %arg40: memref<!tpu.dma_semaphore, #tpu.memory_space<semaphore_mem>>, %arg41: memref<!tpu.dma_semaphore, #tpu.memory_space<semaphore_mem>>, %arg42: memref<!tpu.dma_semaphore, #tpu.memory_space<semaphore_mem>>, %arg43: memref<!tpu.dma_semaphore, #tpu.memory_space<semaphore_mem>>) attributes {dimension_semantics = [#tpu.dimension_semantics<core_parallel>, #tpu.dimension_semantics<subcore_parallel>], iteration_bounds = array<i64: 2, 16>, scalar_prefetch = 0 : i64, scratch_operands = 38 : i64, tpu.core_type = #tpu.core_type<sc_vector_subcore>, window_params = [{transform_indices = #map}, {transform_indices = #map}, {transform_indices = #map}, {transform_indices = #map1}]} {
    %mul3A = arith.constant 2 : i32
    %mul3A_0 = arith.muli %arg1, %mul3A : i32
    %add3A = arith.addi %mul3A_0, %arg0 : i32
    %mul3A_1 = arith.constant 512 : i32
    %mul3A_2 = arith.muli %add3A, %mul3A_1 : i32
    %run_scoped3A = arith.constant 0 : i32
    "tpu.region"() ({
      %run_scoped3A_450 = tpu.sem_alloc : memref<!tpu.dma_semaphore, #tpu.memory_space<semaphore_mem>>
      %dma_start3A_451 = tpu.memref_slice %arg2[%run_scoped3A, %mul3A_2] : memref<2x16384xi32, #tpu.memory_space<hbm>> -> memref<1x512xi32, #tpu.memory_space<hbm>>
      %dma_start3A_452 = tpu.memref_squeeze %dma_start3A_451 : memref<1x512xi32, #tpu.memory_space<hbm>> -> memref<512xi32, #tpu.memory_space<hbm>>
      %dma_start3A_453 = tpu.memref_slice %arg2[%run_scoped3A, %mul3A_2] : memref<2x16384xi32, #tpu.memory_space<hbm>> -> memref<1x512xi32, #tpu.memory_space<hbm>>
      %dma_start3A_454 = tpu.memref_squeeze %dma_start3A_453 : memref<1x512xi32, #tpu.memory_space<hbm>> -> memref<512xi32, #tpu.memory_space<hbm>>
      tpu.enqueue_dma source(%dma_start3A_454 : memref<512xi32, #tpu.memory_space<hbm>>) target(%arg6 : memref<512xi32, #tpu.memory_space<vmem>>) target_semaphore(%run_scoped3A_450 : memref<!tpu.dma_semaphore, #tpu.memory_space<semaphore_mem>>)
      %dma_wait3A_455 = tpu.memref_slice %arg2[%run_scoped3A, %mul3A_2] : memref<2x16384xi32, #tpu.memory_space<hbm>> -> memref<1x512xi32, #tpu.memory_space<hbm>>
      %dma_wait3A_456 = tpu.memref_squeeze %dma_wait3A_455 : memref<1x512xi32, #tpu.memory_space<hbm>> -> memref<512xi32, #tpu.memory_space<hbm>>
      %dma_wait3A_457 = tpu.memref_slice %arg2[%run_scoped3A, %mul3A_2] : memref<2x16384xi32, #tpu.memory_space<hbm>> -> memref<1x512xi32, #tpu.memory_space<hbm>>
      %dma_wait3A_458 = tpu.memref_squeeze %dma_wait3A_457 : memref<1x512xi32, #tpu.memory_space<hbm>> -> memref<512xi32, #tpu.memory_space<hbm>>
      tpu.wait_dma2 semaphore(%run_scoped3A_450 : memref<!tpu.dma_semaphore, #tpu.memory_space<semaphore_mem>>) src(%dma_wait3A_458 : memref<512xi32, #tpu.memory_space<hbm>>) dst(%arg6 : memref<512xi32, #tpu.memory_space<vmem>>)
      tpu.yield
    }) : () -> ()
    %run_scoped3A_3 = arith.constant 1 : i32
    "tpu.region"() ({
      %run_scoped3A_450 = tpu.sem_alloc : memref<!tpu.dma_semaphore, #tpu.memory_space<semaphore_mem>>
      %dma_start3A_451 = tpu.memref_slice %arg2[%run_scoped3A_3, %mul3A_2] : memref<2x16384xi32, #tpu.memory_space<hbm>> -> memref<1x512xi32, #tpu.memory_space<hbm>>
      %dma_start3A_452 = tpu.memref_squeeze %dma_start3A_451 : memref<1x512xi32, #tpu.memory_space<hbm>> -> memref<512xi32, #tpu.memory_space<hbm>>
      %dma_start3A_453 = tpu.memref_slice %arg2[%run_scoped3A_3, %mul3A_2] : memref<2x16384xi32, #tpu.memory_space<hbm>> -> memref<1x512xi32, #tpu.memory_space<hbm>>
      %dma_start3A_454 = tpu.memref_squeeze %dma_start3A_453 : memref<1x512xi32, #tpu.memory_space<hbm>> -> memref<512xi32, #tpu.memory_space<hbm>>
      tpu.enqueue_dma source(%dma_start3A_454 : memref<512xi32, #tpu.memory_space<hbm>>) target(%arg7 : memref<512xi32, #tpu.memory_space<vmem>>) target_semaphore(%run_scoped3A_450 : memref<!tpu.dma_semaphore, #tpu.memory_space<semaphore_mem>>)
      %dma_wait3A_455 = tpu.memref_slice %arg2[%run_scoped3A_3, %mul3A_2] : memref<2x16384xi32, #tpu.memory_space<hbm>> -> memref<1x512xi32, #tpu.memory_space<hbm>>
      %dma_wait3A_456 = tpu.memref_squeeze %dma_wait3A_455 : memref<1x512xi32, #tpu.memory_space<hbm>> -> memref<512xi32, #tpu.memory_space<hbm>>
      %dma_wait3A_457 = tpu.memref_slice %arg2[%run_scoped3A_3, %mul3A_2] : memref<2x16384xi32, #tpu.memory_space<hbm>> -> memref<1x512xi32, #tpu.memory_space<hbm>>
      %dma_wait3A_458 = tpu.memref_squeeze %dma_wait3A_457 : memref<1x512xi32, #tpu.memory_space<hbm>> -> memref<512xi32, #tpu.memory_space<hbm>>
      tpu.wait_dma2 semaphore(%run_scoped3A_450 : memref<!tpu.dma_semaphore, #tpu.memory_space<semaphore_mem>>) src(%dma_wait3A_458 : memref<512xi32, #tpu.memory_space<hbm>>) dst(%arg7 : memref<512xi32, #tpu.memory_space<vmem>>)
      tpu.yield
    }) : () -> ()
    %add3A_4 = arith.constant 0 : i32
    %add3A_5 = arith.addi %mul3A_2, %add3A_4 : i32
    %dma_start3A = arith.constant 0 : i32
    %dma_start3A_6 = tpu.memref_slice %arg6[%dma_start3A] : memref<512xi32, #tpu.memory_space<vmem>> -> memref<64xi32, #tpu.memory_space<vmem>>
    %dma_start3A_7 = arith.constant 0 : i32
    %dma_start3A_8 = arith.constant 0 : i32
    %dma_start3A_9 = tpu.memref_slice %arg3[%dma_start3A_7, %dma_start3A_8] : memref<100000x128xf32, #tpu.memory_space<hbm>> -> memref<100000x128xf32, #tpu.memory_space<hbm>>
    tpu.enqueue_indirect_dma source(%dma_start3A_9 : memref<100000x128xf32, #tpu.memory_space<hbm>>) target(%arg8 : memref<64x128xf32, #tpu.memory_space<vmem>>) offsets(%dma_start3A_6 : memref<64xi32, #tpu.memory_space<vmem>>) semaphore(%arg20 : memref<!tpu.dma_semaphore, #tpu.memory_space<semaphore_mem>>)
    %add3A_10 = arith.constant 64 : i32
    %add3A_11 = arith.addi %mul3A_2, %add3A_10 : i32
    %dma_start3A_12 = arith.constant 64 : i32
    %dma_start3A_13 = tpu.memref_slice %arg6[%dma_start3A_12] : memref<512xi32, #tpu.memory_space<vmem>> -> memref<64xi32, #tpu.memory_space<vmem>>
    %dma_start3A_14 = arith.constant 0 : i32
    %dma_start3A_15 = arith.constant 0 : i32
    %dma_start3A_16 = tpu.memref_slice %arg3[%dma_start3A_14, %dma_start3A_15] : memref<100000x128xf32, #tpu.memory_space<hbm>> -> memref<100000x128xf32, #tpu.memory_space<hbm>>
    tpu.enqueue_indirect_dma source(%dma_start3A_16 : memref<100000x128xf32, #tpu.memory_space<hbm>>) target(%arg9 : memref<64x128xf32, #tpu.memory_space<vmem>>) offsets(%dma_start3A_13 : memref<64xi32, #tpu.memory_space<vmem>>) semaphore(%arg21 : memref<!tpu.dma_semaphore, #tpu.memory_space<semaphore_mem>>)
    %add3A_17 = arith.constant 128 : i32
    %add3A_18 = arith.addi %mul3A_2, %add3A_17 : i32
    %dma_start3A_19 = arith.constant 128 : i32
    %dma_start3A_20 = tpu.memref_slice %arg6[%dma_start3A_19] : memref<512xi32, #tpu.memory_space<vmem>> -> memref<64xi32, #tpu.memory_space<vmem>>
    %dma_start3A_21 = arith.constant 0 : i32
    %dma_start3A_22 = arith.constant 0 : i32
    %dma_start3A_23 = tpu.memref_slice %arg3[%dma_start3A_21, %dma_start3A_22] : memref<100000x128xf32, #tpu.memory_space<hbm>> -> memref<100000x128xf32, #tpu.memory_space<hbm>>
    tpu.enqueue_indirect_dma source(%dma_start3A_23 : memref<100000x128xf32, #tpu.memory_space<hbm>>) target(%arg10 : memref<64x128xf32, #tpu.memory_space<vmem>>) offsets(%dma_start3A_20 : memref<64xi32, #tpu.memory_space<vmem>>) semaphore(%arg22 : memref<!tpu.dma_semaphore, #tpu.memory_space<semaphore_mem>>)
    %add3A_24 = arith.constant 192 : i32
    %add3A_25 = arith.addi %mul3A_2, %add3A_24 : i32
    %dma_start3A_26 = arith.constant 192 : i32
    %dma_start3A_27 = tpu.memref_slice %arg6[%dma_start3A_26] : memref<512xi32, #tpu.memory_space<vmem>> -> memref<64xi32, #tpu.memory_space<vmem>>
    %dma_start3A_28 = arith.constant 0 : i32
    %dma_start3A_29 = arith.constant 0 : i32
    %dma_start3A_30 = tpu.memref_slice %arg3[%dma_start3A_28, %dma_start3A_29] : memref<100000x128xf32, #tpu.memory_space<hbm>> -> memref<100000x128xf32, #tpu.memory_space<hbm>>
    tpu.enqueue_indirect_dma source(%dma_start3A_30 : memref<100000x128xf32, #tpu.memory_space<hbm>>) target(%arg11 : memref<64x128xf32, #tpu.memory_space<vmem>>) offsets(%dma_start3A_27 : memref<64xi32, #tpu.memory_space<vmem>>) semaphore(%arg23 : memref<!tpu.dma_semaphore, #tpu.memory_space<semaphore_mem>>)
    %add3A_31 = arith.constant 256 : i32
    %add3A_32 = arith.addi %mul3A_2, %add3A_31 : i32
    %dma_start3A_33 = arith.constant 256 : i32
    %dma_start3A_34 = tpu.memref_slice %arg6[%dma_start3A_33] : memref<512xi32, #tpu.memory_space<vmem>> -> memref<64xi32, #tpu.memory_space<vmem>>
    %dma_start3A_35 = arith.constant 0 : i32
    %dma_start3A_36 = arith.constant 0 : i32
    %dma_start3A_37 = tpu.memref_slice %arg3[%dma_start3A_35, %dma_start3A_36] : memref<100000x128xf32, #tpu.memory_space<hbm>> -> memref<100000x128xf32, #tpu.memory_space<hbm>>
    tpu.enqueue_indirect_dma source(%dma_start3A_37 : memref<100000x128xf32, #tpu.memory_space<hbm>>) target(%arg12 : memref<64x128xf32, #tpu.memory_space<vmem>>) offsets(%dma_start3A_34 : memref<64xi32, #tpu.memory_space<vmem>>) semaphore(%arg24 : memref<!tpu.dma_semaphore, #tpu.memory_space<semaphore_mem>>)
    %add3A_38 = arith.constant 320 : i32
    %add3A_39 = arith.addi %mul3A_2, %add3A_38 : i32
    %dma_start3A_40 = arith.constant 320 : i32
    %dma_start3A_41 = tpu.memref_slice %arg6[%dma_start3A_40] : memref<512xi32, #tpu.memory_space<vmem>> -> memref<64xi32, #tpu.memory_space<vmem>>
    %dma_start3A_42 = arith.constant 0 : i32
    %dma_start3A_43 = arith.constant 0 : i32
    %dma_start3A_44 = tpu.memref_slice %arg3[%dma_start3A_42, %dma_start3A_43] : memref<100000x128xf32, #tpu.memory_space<hbm>> -> memref<100000x128xf32, #tpu.memory_space<hbm>>
    tpu.enqueue_indirect_dma source(%dma_start3A_44 : memref<100000x128xf32, #tpu.memory_space<hbm>>) target(%arg13 : memref<64x128xf32, #tpu.memory_space<vmem>>) offsets(%dma_start3A_41 : memref<64xi32, #tpu.memory_space<vmem>>) semaphore(%arg25 : memref<!tpu.dma_semaphore, #tpu.memory_space<semaphore_mem>>)
    %add3A_45 = arith.constant 384 : i32
    %add3A_46 = arith.addi %mul3A_2, %add3A_45 : i32
    %dma_start3A_47 = arith.constant 384 : i32
    %dma_start3A_48 = tpu.memref_slice %arg6[%dma_start3A_47] : memref<512xi32, #tpu.memory_space<vmem>> -> memref<64xi32, #tpu.memory_space<vmem>>
    %dma_start3A_49 = arith.constant 0 : i32
    %dma_start3A_50 = arith.constant 0 : i32
    %dma_start3A_51 = tpu.memref_slice %arg3[%dma_start3A_49, %dma_start3A_50] : memref<100000x128xf32, #tpu.memory_space<hbm>> -> memref<100000x128xf32, #tpu.memory_space<hbm>>
    tpu.enqueue_indirect_dma source(%dma_start3A_51 : memref<100000x128xf32, #tpu.memory_space<hbm>>) target(%arg14 : memref<64x128xf32, #tpu.memory_space<vmem>>) offsets(%dma_start3A_48 : memref<64xi32, #tpu.memory_space<vmem>>) semaphore(%arg26 : memref<!tpu.dma_semaphore, #tpu.memory_space<semaphore_mem>>)
    %dma_wait3A = arith.constant 0 : i32
    %dma_wait3A_52 = tpu.memref_slice %arg6[%dma_wait3A] : memref<512xi32, #tpu.memory_space<vmem>> -> memref<64xi32, #tpu.memory_space<vmem>>
    %dma_wait3A_53 = arith.constant 0 : i32
    %dma_wait3A_54 = arith.constant 0 : i32
    %dma_wait3A_55 = tpu.memref_slice %arg3[%dma_wait3A_53, %dma_wait3A_54] : memref<100000x128xf32, #tpu.memory_space<hbm>> -> memref<100000x128xf32, #tpu.memory_space<hbm>>
    tpu.wait_indirect_dma semaphore(%arg20 : memref<!tpu.dma_semaphore, #tpu.memory_space<semaphore_mem>>) src(%dma_wait3A_55 : memref<100000x128xf32, #tpu.memory_space<hbm>>) dst(%arg8 : memref<64x128xf32, #tpu.memory_space<vmem>>)
    %add3A_56 = arith.constant 0 : i32
    %add3A_57 = arith.addi %mul3A_2, %add3A_56 : i32
    %dma_start3A_58 = arith.constant 0 : i32
    %dma_start3A_59 = arith.constant 0 : i32
    %dma_start3A_60 = tpu.memref_slice %arg5[%dma_start3A_58, %add3A_57, %dma_start3A_59] : memref<2x16384x128xf32, #tpu.memory_space<hbm>> -> memref<1x64x128xf32, #tpu.memory_space<hbm>>
    %dma_start3A_61 = tpu.memref_squeeze %dma_start3A_60 : memref<1x64x128xf32, #tpu.memory_space<hbm>> -> memref<64x128xf32, #tpu.memory_space<hbm>>
    %dma_start3A_62 = arith.constant 0 : i32
    %dma_start3A_63 = tpu.memref_slice %arg5[%dma_start3A_58, %add3A_57, %dma_start3A_62] : memref<2x16384x128xf32, #tpu.memory_space<hbm>> -> memref<1x64x128xf32, #tpu.memory_space<hbm>>
    %dma_start3A_64 = tpu.memref_squeeze %dma_start3A_63 : memref<1x64x128xf32, #tpu.memory_space<hbm>> -> memref<64x128xf32, #tpu.memory_space<hbm>>
    tpu.enqueue_dma source(%arg8 : memref<64x128xf32, #tpu.memory_space<vmem>>) target(%dma_start3A_64 : memref<64x128xf32, #tpu.memory_space<hbm>>) target_semaphore(%arg32 : memref<!tpu.dma_semaphore, #tpu.memory_space<semaphore_mem>>)
    %add3A_65 = arith.constant 448 : i32
    %add3A_66 = arith.addi %mul3A_2, %add3A_65 : i32
    %dma_start3A_67 = arith.constant 448 : i32
    %dma_start3A_68 = tpu.memref_slice %arg6[%dma_start3A_67] : memref<512xi32, #tpu.memory_space<vmem>> -> memref<64xi32, #tpu.memory_space<vmem>>
    %dma_start3A_69 = arith.constant 0 : i32
    %dma_start3A_70 = arith.constant 0 : i32
    %dma_start3A_71 = tpu.memref_slice %arg3[%dma_start3A_69, %dma_start3A_70] : memref<100000x128xf32, #tpu.memory_space<hbm>> -> memref<100000x128xf32, #tpu.memory_space<hbm>>
    tpu.enqueue_indirect_dma source(%dma_start3A_71 : memref<100000x128xf32, #tpu.memory_space<hbm>>) target(%arg15 : memref<64x128xf32, #tpu.memory_space<vmem>>) offsets(%dma_start3A_68 : memref<64xi32, #tpu.memory_space<vmem>>) semaphore(%arg27 : memref<!tpu.dma_semaphore, #tpu.memory_space<semaphore_mem>>)
    %dma_wait3A_72 = arith.constant 64 : i32
    %dma_wait3A_73 = tpu.memref_slice %arg6[%dma_wait3A_72] : memref<512xi32, #tpu.memory_space<vmem>> -> memref<64xi32, #tpu.memory_space<vmem>>
    %dma_wait3A_74 = arith.constant 0 : i32
    %dma_wait3A_75 = arith.constant 0 : i32
    %dma_wait3A_76 = tpu.memref_slice %arg3[%dma_wait3A_74, %dma_wait3A_75] : memref<100000x128xf32, #tpu.memory_space<hbm>> -> memref<100000x128xf32, #tpu.memory_space<hbm>>
    tpu.wait_indirect_dma semaphore(%arg21 : memref<!tpu.dma_semaphore, #tpu.memory_space<semaphore_mem>>) src(%dma_wait3A_76 : memref<100000x128xf32, #tpu.memory_space<hbm>>) dst(%arg9 : memref<64x128xf32, #tpu.memory_space<vmem>>)
    %add3A_77 = arith.constant 64 : i32
    %add3A_78 = arith.addi %mul3A_2, %add3A_77 : i32
    %dma_start3A_79 = arith.constant 0 : i32
    %dma_start3A_80 = arith.constant 0 : i32
    %dma_start3A_81 = tpu.memref_slice %arg5[%dma_start3A_79, %add3A_78, %dma_start3A_80] : memref<2x16384x128xf32, #tpu.memory_space<hbm>> -> memref<1x64x128xf32, #tpu.memory_space<hbm>>
    %dma_start3A_82 = tpu.memref_squeeze %dma_start3A_81 : memref<1x64x128xf32, #tpu.memory_space<hbm>> -> memref<64x128xf32, #tpu.memory_space<hbm>>
    %dma_start3A_83 = arith.constant 0 : i32
    %dma_start3A_84 = tpu.memref_slice %arg5[%dma_start3A_79, %add3A_78, %dma_start3A_83] : memref<2x16384x128xf32, #tpu.memory_space<hbm>> -> memref<1x64x128xf32, #tpu.memory_space<hbm>>
    %dma_start3A_85 = tpu.memref_squeeze %dma_start3A_84 : memref<1x64x128xf32, #tpu.memory_space<hbm>> -> memref<64x128xf32, #tpu.memory_space<hbm>>
    tpu.enqueue_dma source(%arg9 : memref<64x128xf32, #tpu.memory_space<vmem>>) target(%dma_start3A_85 : memref<64x128xf32, #tpu.memory_space<hbm>>) target_semaphore(%arg33 : memref<!tpu.dma_semaphore, #tpu.memory_space<semaphore_mem>>)
    %add3A_86 = arith.constant 0 : i32
    %add3A_87 = arith.addi %mul3A_2, %add3A_86 : i32
    %dma_start3A_88 = arith.constant 0 : i32
    %dma_start3A_89 = tpu.memref_slice %arg7[%dma_start3A_88] : memref<512xi32, #tpu.memory_space<vmem>> -> memref<64xi32, #tpu.memory_space<vmem>>
    %dma_start3A_90 = arith.constant 0 : i32
    %dma_start3A_91 = arith.constant 0 : i32
    %dma_start3A_92 = tpu.memref_slice %arg4[%dma_start3A_90, %dma_start3A_91] : memref<100000x128xf32, #tpu.memory_space<hbm>> -> memref<100000x128xf32, #tpu.memory_space<hbm>>
    tpu.enqueue_indirect_dma source(%dma_start3A_92 : memref<100000x128xf32, #tpu.memory_space<hbm>>) target(%arg16 : memref<64x128xf32, #tpu.memory_space<vmem>>) offsets(%dma_start3A_89 : memref<64xi32, #tpu.memory_space<vmem>>) semaphore(%arg28 : memref<!tpu.dma_semaphore, #tpu.memory_space<semaphore_mem>>)
    %dma_wait3A_93 = arith.constant 128 : i32
    %dma_wait3A_94 = tpu.memref_slice %arg6[%dma_wait3A_93] : memref<512xi32, #tpu.memory_space<vmem>> -> memref<64xi32, #tpu.memory_space<vmem>>
    %dma_wait3A_95 = arith.constant 0 : i32
    %dma_wait3A_96 = arith.constant 0 : i32
    %dma_wait3A_97 = tpu.memref_slice %arg3[%dma_wait3A_95, %dma_wait3A_96] : memref<100000x128xf32, #tpu.memory_space<hbm>> -> memref<100000x128xf32, #tpu.memory_space<hbm>>
    tpu.wait_indirect_dma semaphore(%arg22 : memref<!tpu.dma_semaphore, #tpu.memory_space<semaphore_mem>>) src(%dma_wait3A_97 : memref<100000x128xf32, #tpu.memory_space<hbm>>) dst(%arg10 : memref<64x128xf32, #tpu.memory_space<vmem>>)
    %add3A_98 = arith.constant 128 : i32
    %add3A_99 = arith.addi %mul3A_2, %add3A_98 : i32
    %dma_start3A_100 = arith.constant 0 : i32
    %dma_start3A_101 = arith.constant 0 : i32
    %dma_start3A_102 = tpu.memref_slice %arg5[%dma_start3A_100, %add3A_99, %dma_start3A_101] : memref<2x16384x128xf32, #tpu.memory_space<hbm>> -> memref<1x64x128xf32, #tpu.memory_space<hbm>>
    %dma_start3A_103 = tpu.memref_squeeze %dma_start3A_102 : memref<1x64x128xf32, #tpu.memory_space<hbm>> -> memref<64x128xf32, #tpu.memory_space<hbm>>
    %dma_start3A_104 = arith.constant 0 : i32
    %dma_start3A_105 = tpu.memref_slice %arg5[%dma_start3A_100, %add3A_99, %dma_start3A_104] : memref<2x16384x128xf32, #tpu.memory_space<hbm>> -> memref<1x64x128xf32, #tpu.memory_space<hbm>>
    %dma_start3A_106 = tpu.memref_squeeze %dma_start3A_105 : memref<1x64x128xf32, #tpu.memory_space<hbm>> -> memref<64x128xf32, #tpu.memory_space<hbm>>
    tpu.enqueue_dma source(%arg10 : memref<64x128xf32, #tpu.memory_space<vmem>>) target(%dma_start3A_106 : memref<64x128xf32, #tpu.memory_space<hbm>>) target_semaphore(%arg34 : memref<!tpu.dma_semaphore, #tpu.memory_space<semaphore_mem>>)
    %add3A_107 = arith.constant 64 : i32
    %add3A_108 = arith.addi %mul3A_2, %add3A_107 : i32
    %dma_start3A_109 = arith.constant 64 : i32
    %dma_start3A_110 = tpu.memref_slice %arg7[%dma_start3A_109] : memref<512xi32, #tpu.memory_space<vmem>> -> memref<64xi32, #tpu.memory_space<vmem>>
    %dma_start3A_111 = arith.constant 0 : i32
    %dma_start3A_112 = arith.constant 0 : i32
    %dma_start3A_113 = tpu.memref_slice %arg4[%dma_start3A_111, %dma_start3A_112] : memref<100000x128xf32, #tpu.memory_space<hbm>> -> memref<100000x128xf32, #tpu.memory_space<hbm>>
    tpu.enqueue_indirect_dma source(%dma_start3A_113 : memref<100000x128xf32, #tpu.memory_space<hbm>>) target(%arg17 : memref<64x128xf32, #tpu.memory_space<vmem>>) offsets(%dma_start3A_110 : memref<64xi32, #tpu.memory_space<vmem>>) semaphore(%arg29 : memref<!tpu.dma_semaphore, #tpu.memory_space<semaphore_mem>>)
    %dma_wait3A_114 = arith.constant 192 : i32
    %dma_wait3A_115 = tpu.memref_slice %arg6[%dma_wait3A_114] : memref<512xi32, #tpu.memory_space<vmem>> -> memref<64xi32, #tpu.memory_space<vmem>>
    %dma_wait3A_116 = arith.constant 0 : i32
    %dma_wait3A_117 = arith.constant 0 : i32
    %dma_wait3A_118 = tpu.memref_slice %arg3[%dma_wait3A_116, %dma_wait3A_117] : memref<100000x128xf32, #tpu.memory_space<hbm>> -> memref<100000x128xf32, #tpu.memory_space<hbm>>
    tpu.wait_indirect_dma semaphore(%arg23 : memref<!tpu.dma_semaphore, #tpu.memory_space<semaphore_mem>>) src(%dma_wait3A_118 : memref<100000x128xf32, #tpu.memory_space<hbm>>) dst(%arg11 : memref<64x128xf32, #tpu.memory_space<vmem>>)
    %add3A_119 = arith.constant 192 : i32
    %add3A_120 = arith.addi %mul3A_2, %add3A_119 : i32
    %dma_start3A_121 = arith.constant 0 : i32
    %dma_start3A_122 = arith.constant 0 : i32
    %dma_start3A_123 = tpu.memref_slice %arg5[%dma_start3A_121, %add3A_120, %dma_start3A_122] : memref<2x16384x128xf32, #tpu.memory_space<hbm>> -> memref<1x64x128xf32, #tpu.memory_space<hbm>>
    %dma_start3A_124 = tpu.memref_squeeze %dma_start3A_123 : memref<1x64x128xf32, #tpu.memory_space<hbm>> -> memref<64x128xf32, #tpu.memory_space<hbm>>
    %dma_start3A_125 = arith.constant 0 : i32
    %dma_start3A_126 = tpu.memref_slice %arg5[%dma_start3A_121, %add3A_120, %dma_start3A_125] : memref<2x16384x128xf32, #tpu.memory_space<hbm>> -> memref<1x64x128xf32, #tpu.memory_space<hbm>>
    %dma_start3A_127 = tpu.memref_squeeze %dma_start3A_126 : memref<1x64x128xf32, #tpu.memory_space<hbm>> -> memref<64x128xf32, #tpu.memory_space<hbm>>
    tpu.enqueue_dma source(%arg11 : memref<64x128xf32, #tpu.memory_space<vmem>>) target(%dma_start3A_127 : memref<64x128xf32, #tpu.memory_space<hbm>>) target_semaphore(%arg35 : memref<!tpu.dma_semaphore, #tpu.memory_space<semaphore_mem>>)
    %add3A_128 = arith.constant 128 : i32
    %add3A_129 = arith.addi %mul3A_2, %add3A_128 : i32
    %dma_start3A_130 = arith.constant 128 : i32
    %dma_start3A_131 = tpu.memref_slice %arg7[%dma_start3A_130] : memref<512xi32, #tpu.memory_space<vmem>> -> memref<64xi32, #tpu.memory_space<vmem>>
    %dma_start3A_132 = arith.constant 0 : i32
    %dma_start3A_133 = arith.constant 0 : i32
    %dma_start3A_134 = tpu.memref_slice %arg4[%dma_start3A_132, %dma_start3A_133] : memref<100000x128xf32, #tpu.memory_space<hbm>> -> memref<100000x128xf32, #tpu.memory_space<hbm>>
    tpu.enqueue_indirect_dma source(%dma_start3A_134 : memref<100000x128xf32, #tpu.memory_space<hbm>>) target(%arg18 : memref<64x128xf32, #tpu.memory_space<vmem>>) offsets(%dma_start3A_131 : memref<64xi32, #tpu.memory_space<vmem>>) semaphore(%arg30 : memref<!tpu.dma_semaphore, #tpu.memory_space<semaphore_mem>>)
    %dma_wait3A_135 = arith.constant 256 : i32
    %dma_wait3A_136 = tpu.memref_slice %arg6[%dma_wait3A_135] : memref<512xi32, #tpu.memory_space<vmem>> -> memref<64xi32, #tpu.memory_space<vmem>>
    %dma_wait3A_137 = arith.constant 0 : i32
    %dma_wait3A_138 = arith.constant 0 : i32
    %dma_wait3A_139 = tpu.memref_slice %arg3[%dma_wait3A_137, %dma_wait3A_138] : memref<100000x128xf32, #tpu.memory_space<hbm>> -> memref<100000x128xf32, #tpu.memory_space<hbm>>
    tpu.wait_indirect_dma semaphore(%arg24 : memref<!tpu.dma_semaphore, #tpu.memory_space<semaphore_mem>>) src(%dma_wait3A_139 : memref<100000x128xf32, #tpu.memory_space<hbm>>) dst(%arg12 : memref<64x128xf32, #tpu.memory_space<vmem>>)
    %add3A_140 = arith.constant 256 : i32
    %add3A_141 = arith.addi %mul3A_2, %add3A_140 : i32
    %dma_start3A_142 = arith.constant 0 : i32
    %dma_start3A_143 = arith.constant 0 : i32
    %dma_start3A_144 = tpu.memref_slice %arg5[%dma_start3A_142, %add3A_141, %dma_start3A_143] : memref<2x16384x128xf32, #tpu.memory_space<hbm>> -> memref<1x64x128xf32, #tpu.memory_space<hbm>>
    %dma_start3A_145 = tpu.memref_squeeze %dma_start3A_144 : memref<1x64x128xf32, #tpu.memory_space<hbm>> -> memref<64x128xf32, #tpu.memory_space<hbm>>
    %dma_start3A_146 = arith.constant 0 : i32
    %dma_start3A_147 = tpu.memref_slice %arg5[%dma_start3A_142, %add3A_141, %dma_start3A_146] : memref<2x16384x128xf32, #tpu.memory_space<hbm>> -> memref<1x64x128xf32, #tpu.memory_space<hbm>>
    %dma_start3A_148 = tpu.memref_squeeze %dma_start3A_147 : memref<1x64x128xf32, #tpu.memory_space<hbm>> -> memref<64x128xf32, #tpu.memory_space<hbm>>
    tpu.enqueue_dma source(%arg12 : memref<64x128xf32, #tpu.memory_space<vmem>>) target(%dma_start3A_148 : memref<64x128xf32, #tpu.memory_space<hbm>>) target_semaphore(%arg36 : memref<!tpu.dma_semaphore, #tpu.memory_space<semaphore_mem>>)
    %add3A_149 = arith.constant 192 : i32
    %add3A_150 = arith.addi %mul3A_2, %add3A_149 : i32
    %dma_start3A_151 = arith.constant 192 : i32
    %dma_start3A_152 = tpu.memref_slice %arg7[%dma_start3A_151] : memref<512xi32, #tpu.memory_space<vmem>> -> memref<64xi32, #tpu.memory_space<vmem>>
    %dma_start3A_153 = arith.constant 0 : i32
    %dma_start3A_154 = arith.constant 0 : i32
    %dma_start3A_155 = tpu.memref_slice %arg4[%dma_start3A_153, %dma_start3A_154] : memref<100000x128xf32, #tpu.memory_space<hbm>> -> memref<100000x128xf32, #tpu.memory_space<hbm>>
    tpu.enqueue_indirect_dma source(%dma_start3A_155 : memref<100000x128xf32, #tpu.memory_space<hbm>>) target(%arg19 : memref<64x128xf32, #tpu.memory_space<vmem>>) offsets(%dma_start3A_152 : memref<64xi32, #tpu.memory_space<vmem>>) semaphore(%arg31 : memref<!tpu.dma_semaphore, #tpu.memory_space<semaphore_mem>>)
    %dma_wait3A_156 = arith.constant 320 : i32
    %dma_wait3A_157 = tpu.memref_slice %arg6[%dma_wait3A_156] : memref<512xi32, #tpu.memory_space<vmem>> -> memref<64xi32, #tpu.memory_space<vmem>>
    %dma_wait3A_158 = arith.constant 0 : i32
    %dma_wait3A_159 = arith.constant 0 : i32
    %dma_wait3A_160 = tpu.memref_slice %arg3[%dma_wait3A_158, %dma_wait3A_159] : memref<100000x128xf32, #tpu.memory_space<hbm>> -> memref<100000x128xf32, #tpu.memory_space<hbm>>
    tpu.wait_indirect_dma semaphore(%arg25 : memref<!tpu.dma_semaphore, #tpu.memory_space<semaphore_mem>>) src(%dma_wait3A_160 : memref<100000x128xf32, #tpu.memory_space<hbm>>) dst(%arg13 : memref<64x128xf32, #tpu.memory_space<vmem>>)
    %add3A_161 = arith.constant 320 : i32
    %add3A_162 = arith.addi %mul3A_2, %add3A_161 : i32
    %dma_start3A_163 = arith.constant 0 : i32
    %dma_start3A_164 = arith.constant 0 : i32
    %dma_start3A_165 = tpu.memref_slice %arg5[%dma_start3A_163, %add3A_162, %dma_start3A_164] : memref<2x16384x128xf32, #tpu.memory_space<hbm>> -> memref<1x64x128xf32, #tpu.memory_space<hbm>>
    %dma_start3A_166 = tpu.memref_squeeze %dma_start3A_165 : memref<1x64x128xf32, #tpu.memory_space<hbm>> -> memref<64x128xf32, #tpu.memory_space<hbm>>
    %dma_start3A_167 = arith.constant 0 : i32
    %dma_start3A_168 = tpu.memref_slice %arg5[%dma_start3A_163, %add3A_162, %dma_start3A_167] : memref<2x16384x128xf32, #tpu.memory_space<hbm>> -> memref<1x64x128xf32, #tpu.memory_space<hbm>>
    %dma_start3A_169 = tpu.memref_squeeze %dma_start3A_168 : memref<1x64x128xf32, #tpu.memory_space<hbm>> -> memref<64x128xf32, #tpu.memory_space<hbm>>
    tpu.enqueue_dma source(%arg13 : memref<64x128xf32, #tpu.memory_space<vmem>>) target(%dma_start3A_169 : memref<64x128xf32, #tpu.memory_space<hbm>>) target_semaphore(%arg37 : memref<!tpu.dma_semaphore, #tpu.memory_space<semaphore_mem>>)
    %dma_wait3A_170 = arith.constant 0 : i32
    %dma_wait3A_171 = arith.constant 0 : i32
    %dma_wait3A_172 = tpu.memref_slice %arg5[%dma_wait3A_170, %add3A_57, %dma_wait3A_171] : memref<2x16384x128xf32, #tpu.memory_space<hbm>> -> memref<1x64x128xf32, #tpu.memory_space<hbm>>
    %dma_wait3A_173 = tpu.memref_squeeze %dma_wait3A_172 : memref<1x64x128xf32, #tpu.memory_space<hbm>> -> memref<64x128xf32, #tpu.memory_space<hbm>>
    %dma_wait3A_174 = arith.constant 0 : i32
    %dma_wait3A_175 = tpu.memref_slice %arg5[%dma_wait3A_170, %add3A_57, %dma_wait3A_174] : memref<2x16384x128xf32, #tpu.memory_space<hbm>> -> memref<1x64x128xf32, #tpu.memory_space<hbm>>
    %dma_wait3A_176 = tpu.memref_squeeze %dma_wait3A_175 : memref<1x64x128xf32, #tpu.memory_space<hbm>> -> memref<64x128xf32, #tpu.memory_space<hbm>>
    tpu.wait_dma2 semaphore(%arg32 : memref<!tpu.dma_semaphore, #tpu.memory_space<semaphore_mem>>) src(%arg8 : memref<64x128xf32, #tpu.memory_space<vmem>>) dst(%dma_wait3A_176 : memref<64x128xf32, #tpu.memory_space<hbm>>)
    %add3A_177 = arith.constant 256 : i32
    %add3A_178 = arith.addi %mul3A_2, %add3A_177 : i32
    %dma_start3A_179 = arith.constant 256 : i32
    %dma_start3A_180 = tpu.memref_slice %arg7[%dma_start3A_179] : memref<512xi32, #tpu.memory_space<vmem>> -> memref<64xi32, #tpu.memory_space<vmem>>
    %dma_start3A_181 = arith.constant 0 : i32
    %dma_start3A_182 = arith.constant 0 : i32
    %dma_start3A_183 = tpu.memref_slice %arg4[%dma_start3A_181, %dma_start3A_182] : memref<100000x128xf32, #tpu.memory_space<hbm>> -> memref<100000x128xf32, #tpu.memory_space<hbm>>
    tpu.enqueue_indirect_dma source(%dma_start3A_183 : memref<100000x128xf32, #tpu.memory_space<hbm>>) target(%arg8 : memref<64x128xf32, #tpu.memory_space<vmem>>) offsets(%dma_start3A_180 : memref<64xi32, #tpu.memory_space<vmem>>) semaphore(%arg20 : memref<!tpu.dma_semaphore, #tpu.memory_space<semaphore_mem>>)
    %dma_wait3A_184 = arith.constant 384 : i32
    %dma_wait3A_185 = tpu.memref_slice %arg6[%dma_wait3A_184] : memref<512xi32, #tpu.memory_space<vmem>> -> memref<64xi32, #tpu.memory_space<vmem>>
    %dma_wait3A_186 = arith.constant 0 : i32
    %dma_wait3A_187 = arith.constant 0 : i32
    %dma_wait3A_188 = tpu.memref_slice %arg3[%dma_wait3A_186, %dma_wait3A_187] : memref<100000x128xf32, #tpu.memory_space<hbm>> -> memref<100000x128xf32, #tpu.memory_space<hbm>>
    tpu.wait_indirect_dma semaphore(%arg26 : memref<!tpu.dma_semaphore, #tpu.memory_space<semaphore_mem>>) src(%dma_wait3A_188 : memref<100000x128xf32, #tpu.memory_space<hbm>>) dst(%arg14 : memref<64x128xf32, #tpu.memory_space<vmem>>)
    %add3A_189 = arith.constant 384 : i32
    %add3A_190 = arith.addi %mul3A_2, %add3A_189 : i32
    %dma_start3A_191 = arith.constant 0 : i32
    %dma_start3A_192 = arith.constant 0 : i32
    %dma_start3A_193 = tpu.memref_slice %arg5[%dma_start3A_191, %add3A_190, %dma_start3A_192] : memref<2x16384x128xf32, #tpu.memory_space<hbm>> -> memref<1x64x128xf32, #tpu.memory_space<hbm>>
    %dma_start3A_194 = tpu.memref_squeeze %dma_start3A_193 : memref<1x64x128xf32, #tpu.memory_space<hbm>> -> memref<64x128xf32, #tpu.memory_space<hbm>>
    %dma_start3A_195 = arith.constant 0 : i32
    %dma_start3A_196 = tpu.memref_slice %arg5[%dma_start3A_191, %add3A_190, %dma_start3A_195] : memref<2x16384x128xf32, #tpu.memory_space<hbm>> -> memref<1x64x128xf32, #tpu.memory_space<hbm>>
    %dma_start3A_197 = tpu.memref_squeeze %dma_start3A_196 : memref<1x64x128xf32, #tpu.memory_space<hbm>> -> memref<64x128xf32, #tpu.memory_space<hbm>>
    tpu.enqueue_dma source(%arg14 : memref<64x128xf32, #tpu.memory_space<vmem>>) target(%dma_start3A_197 : memref<64x128xf32, #tpu.memory_space<hbm>>) target_semaphore(%arg38 : memref<!tpu.dma_semaphore, #tpu.memory_space<semaphore_mem>>)
    %dma_wait3A_198 = arith.constant 0 : i32
    %dma_wait3A_199 = arith.constant 0 : i32
    %dma_wait3A_200 = tpu.memref_slice %arg5[%dma_wait3A_198, %add3A_78, %dma_wait3A_199] : memref<2x16384x128xf32, #tpu.memory_space<hbm>> -> memref<1x64x128xf32, #tpu.memory_space<hbm>>
    %dma_wait3A_201 = tpu.memref_squeeze %dma_wait3A_200 : memref<1x64x128xf32, #tpu.memory_space<hbm>> -> memref<64x128xf32, #tpu.memory_space<hbm>>
    %dma_wait3A_202 = arith.constant 0 : i32
    %dma_wait3A_203 = tpu.memref_slice %arg5[%dma_wait3A_198, %add3A_78, %dma_wait3A_202] : memref<2x16384x128xf32, #tpu.memory_space<hbm>> -> memref<1x64x128xf32, #tpu.memory_space<hbm>>
    %dma_wait3A_204 = tpu.memref_squeeze %dma_wait3A_203 : memref<1x64x128xf32, #tpu.memory_space<hbm>> -> memref<64x128xf32, #tpu.memory_space<hbm>>
    tpu.wait_dma2 semaphore(%arg33 : memref<!tpu.dma_semaphore, #tpu.memory_space<semaphore_mem>>) src(%arg9 : memref<64x128xf32, #tpu.memory_space<vmem>>) dst(%dma_wait3A_204 : memref<64x128xf32, #tpu.memory_space<hbm>>)
    %add3A_205 = arith.constant 320 : i32
    %add3A_206 = arith.addi %mul3A_2, %add3A_205 : i32
    %dma_start3A_207 = arith.constant 320 : i32
    %dma_start3A_208 = tpu.memref_slice %arg7[%dma_start3A_207] : memref<512xi32, #tpu.memory_space<vmem>> -> memref<64xi32, #tpu.memory_space<vmem>>
    %dma_start3A_209 = arith.constant 0 : i32
    %dma_start3A_210 = arith.constant 0 : i32
    %dma_start3A_211 = tpu.memref_slice %arg4[%dma_start3A_209, %dma_start3A_210] : memref<100000x128xf32, #tpu.memory_space<hbm>> -> memref<100000x128xf32, #tpu.memory_space<hbm>>
    tpu.enqueue_indirect_dma source(%dma_start3A_211 : memref<100000x128xf32, #tpu.memory_space<hbm>>) target(%arg9 : memref<64x128xf32, #tpu.memory_space<vmem>>) offsets(%dma_start3A_208 : memref<64xi32, #tpu.memory_space<vmem>>) semaphore(%arg21 : memref<!tpu.dma_semaphore, #tpu.memory_space<semaphore_mem>>)
    %dma_wait3A_212 = arith.constant 448 : i32
    %dma_wait3A_213 = tpu.memref_slice %arg6[%dma_wait3A_212] : memref<512xi32, #tpu.memory_space<vmem>> -> memref<64xi32, #tpu.memory_space<vmem>>
    %dma_wait3A_214 = arith.constant 0 : i32
    %dma_wait3A_215 = arith.constant 0 : i32
    %dma_wait3A_216 = tpu.memref_slice %arg3[%dma_wait3A_214, %dma_wait3A_215] : memref<100000x128xf32, #tpu.memory_space<hbm>> -> memref<100000x128xf32, #tpu.memory_space<hbm>>
    tpu.wait_indirect_dma semaphore(%arg27 : memref<!tpu.dma_semaphore, #tpu.memory_space<semaphore_mem>>) src(%dma_wait3A_216 : memref<100000x128xf32, #tpu.memory_space<hbm>>) dst(%arg15 : memref<64x128xf32, #tpu.memory_space<vmem>>)
    %add3A_217 = arith.constant 448 : i32
    %add3A_218 = arith.addi %mul3A_2, %add3A_217 : i32
    %dma_start3A_219 = arith.constant 0 : i32
    %dma_start3A_220 = arith.constant 0 : i32
    %dma_start3A_221 = tpu.memref_slice %arg5[%dma_start3A_219, %add3A_218, %dma_start3A_220] : memref<2x16384x128xf32, #tpu.memory_space<hbm>> -> memref<1x64x128xf32, #tpu.memory_space<hbm>>
    %dma_start3A_222 = tpu.memref_squeeze %dma_start3A_221 : memref<1x64x128xf32, #tpu.memory_space<hbm>> -> memref<64x128xf32, #tpu.memory_space<hbm>>
    %dma_start3A_223 = arith.constant 0 : i32
    %dma_start3A_224 = tpu.memref_slice %arg5[%dma_start3A_219, %add3A_218, %dma_start3A_223] : memref<2x16384x128xf32, #tpu.memory_space<hbm>> -> memref<1x64x128xf32, #tpu.memory_space<hbm>>
    %dma_start3A_225 = tpu.memref_squeeze %dma_start3A_224 : memref<1x64x128xf32, #tpu.memory_space<hbm>> -> memref<64x128xf32, #tpu.memory_space<hbm>>
    tpu.enqueue_dma source(%arg15 : memref<64x128xf32, #tpu.memory_space<vmem>>) target(%dma_start3A_225 : memref<64x128xf32, #tpu.memory_space<hbm>>) target_semaphore(%arg39 : memref<!tpu.dma_semaphore, #tpu.memory_space<semaphore_mem>>)
    %dma_wait3A_226 = arith.constant 0 : i32
    %dma_wait3A_227 = arith.constant 0 : i32
    %dma_wait3A_228 = tpu.memref_slice %arg5[%dma_wait3A_226, %add3A_99, %dma_wait3A_227] : memref<2x16384x128xf32, #tpu.memory_space<hbm>> -> memref<1x64x128xf32, #tpu.memory_space<hbm>>
    %dma_wait3A_229 = tpu.memref_squeeze %dma_wait3A_228 : memref<1x64x128xf32, #tpu.memory_space<hbm>> -> memref<64x128xf32, #tpu.memory_space<hbm>>
    %dma_wait3A_230 = arith.constant 0 : i32
    %dma_wait3A_231 = tpu.memref_slice %arg5[%dma_wait3A_226, %add3A_99, %dma_wait3A_230] : memref<2x16384x128xf32, #tpu.memory_space<hbm>> -> memref<1x64x128xf32, #tpu.memory_space<hbm>>
    %dma_wait3A_232 = tpu.memref_squeeze %dma_wait3A_231 : memref<1x64x128xf32, #tpu.memory_space<hbm>> -> memref<64x128xf32, #tpu.memory_space<hbm>>
    tpu.wait_dma2 semaphore(%arg34 : memref<!tpu.dma_semaphore, #tpu.memory_space<semaphore_mem>>) src(%arg10 : memref<64x128xf32, #tpu.memory_space<vmem>>) dst(%dma_wait3A_232 : memref<64x128xf32, #tpu.memory_space<hbm>>)
    %add3A_233 = arith.constant 384 : i32
    %add3A_234 = arith.addi %mul3A_2, %add3A_233 : i32
    %dma_start3A_235 = arith.constant 384 : i32
    %dma_start3A_236 = tpu.memref_slice %arg7[%dma_start3A_235] : memref<512xi32, #tpu.memory_space<vmem>> -> memref<64xi32, #tpu.memory_space<vmem>>
    %dma_start3A_237 = arith.constant 0 : i32
    %dma_start3A_238 = arith.constant 0 : i32
    %dma_start3A_239 = tpu.memref_slice %arg4[%dma_start3A_237, %dma_start3A_238] : memref<100000x128xf32, #tpu.memory_space<hbm>> -> memref<100000x128xf32, #tpu.memory_space<hbm>>
    tpu.enqueue_indirect_dma source(%dma_start3A_239 : memref<100000x128xf32, #tpu.memory_space<hbm>>) target(%arg10 : memref<64x128xf32, #tpu.memory_space<vmem>>) offsets(%dma_start3A_236 : memref<64xi32, #tpu.memory_space<vmem>>) semaphore(%arg22 : memref<!tpu.dma_semaphore, #tpu.memory_space<semaphore_mem>>)
    %dma_wait3A_240 = arith.constant 0 : i32
    %dma_wait3A_241 = tpu.memref_slice %arg7[%dma_wait3A_240] : memref<512xi32, #tpu.memory_space<vmem>> -> memref<64xi32, #tpu.memory_space<vmem>>
    %dma_wait3A_242 = arith.constant 0 : i32
    %dma_wait3A_243 = arith.constant 0 : i32
    %dma_wait3A_244 = tpu.memref_slice %arg4[%dma_wait3A_242, %dma_wait3A_243] : memref<100000x128xf32, #tpu.memory_space<hbm>> -> memref<100000x128xf32, #tpu.memory_space<hbm>>
    tpu.wait_indirect_dma semaphore(%arg28 : memref<!tpu.dma_semaphore, #tpu.memory_space<semaphore_mem>>) src(%dma_wait3A_244 : memref<100000x128xf32, #tpu.memory_space<hbm>>) dst(%arg16 : memref<64x128xf32, #tpu.memory_space<vmem>>)
    %add3A_245 = arith.constant 0 : i32
    %add3A_246 = arith.addi %mul3A_2, %add3A_245 : i32
    %dma_start3A_247 = arith.constant 1 : i32
    %dma_start3A_248 = arith.constant 0 : i32
    %dma_start3A_249 = tpu.memref_slice %arg5[%dma_start3A_247, %add3A_246, %dma_start3A_248] : memref<2x16384x128xf32, #tpu.memory_space<hbm>> -> memref<1x64x128xf32, #tpu.memory_space<hbm>>
    %dma_start3A_250 = tpu.memref_squeeze %dma_start3A_249 : memref<1x64x128xf32, #tpu.memory_space<hbm>> -> memref<64x128xf32, #tpu.memory_space<hbm>>
    %dma_start3A_251 = arith.constant 0 : i32
    %dma_start3A_252 = tpu.memref_slice %arg5[%dma_start3A_247, %add3A_246, %dma_start3A_251] : memref<2x16384x128xf32, #tpu.memory_space<hbm>> -> memref<1x64x128xf32, #tpu.memory_space<hbm>>
    %dma_start3A_253 = tpu.memref_squeeze %dma_start3A_252 : memref<1x64x128xf32, #tpu.memory_space<hbm>> -> memref<64x128xf32, #tpu.memory_space<hbm>>
    tpu.enqueue_dma source(%arg16 : memref<64x128xf32, #tpu.memory_space<vmem>>) target(%dma_start3A_253 : memref<64x128xf32, #tpu.memory_space<hbm>>) target_semaphore(%arg40 : memref<!tpu.dma_semaphore, #tpu.memory_space<semaphore_mem>>)
    %dma_wait3A_254 = arith.constant 0 : i32
    %dma_wait3A_255 = arith.constant 0 : i32
    %dma_wait3A_256 = tpu.memref_slice %arg5[%dma_wait3A_254, %add3A_120, %dma_wait3A_255] : memref<2x16384x128xf32, #tpu.memory_space<hbm>> -> memref<1x64x128xf32, #tpu.memory_space<hbm>>
    %dma_wait3A_257 = tpu.memref_squeeze %dma_wait3A_256 : memref<1x64x128xf32, #tpu.memory_space<hbm>> -> memref<64x128xf32, #tpu.memory_space<hbm>>
    %dma_wait3A_258 = arith.constant 0 : i32
    %dma_wait3A_259 = tpu.memref_slice %arg5[%dma_wait3A_254, %add3A_120, %dma_wait3A_258] : memref<2x16384x128xf32, #tpu.memory_space<hbm>> -> memref<1x64x128xf32, #tpu.memory_space<hbm>>
    %dma_wait3A_260 = tpu.memref_squeeze %dma_wait3A_259 : memref<1x64x128xf32, #tpu.memory_space<hbm>> -> memref<64x128xf32, #tpu.memory_space<hbm>>
    tpu.wait_dma2 semaphore(%arg35 : memref<!tpu.dma_semaphore, #tpu.memory_space<semaphore_mem>>) src(%arg11 : memref<64x128xf32, #tpu.memory_space<vmem>>) dst(%dma_wait3A_260 : memref<64x128xf32, #tpu.memory_space<hbm>>)
    %add3A_261 = arith.constant 448 : i32
    %add3A_262 = arith.addi %mul3A_2, %add3A_261 : i32
    %dma_start3A_263 = arith.constant 448 : i32
    %dma_start3A_264 = tpu.memref_slice %arg7[%dma_start3A_263] : memref<512xi32, #tpu.memory_space<vmem>> -> memref<64xi32, #tpu.memory_space<vmem>>
    %dma_start3A_265 = arith.constant 0 : i32
    %dma_start3A_266 = arith.constant 0 : i32
    %dma_start3A_267 = tpu.memref_slice %arg4[%dma_start3A_265, %dma_start3A_266] : memref<100000x128xf32, #tpu.memory_space<hbm>> -> memref<100000x128xf32, #tpu.memory_space<hbm>>
    tpu.enqueue_indirect_dma source(%dma_start3A_267 : memref<100000x128xf32, #tpu.memory_space<hbm>>) target(%arg11 : memref<64x128xf32, #tpu.memory_space<vmem>>) offsets(%dma_start3A_264 : memref<64xi32, #tpu.memory_space<vmem>>) semaphore(%arg23 : memref<!tpu.dma_semaphore, #tpu.memory_space<semaphore_mem>>)
    %dma_wait3A_268 = arith.constant 64 : i32
    %dma_wait3A_269 = tpu.memref_slice %arg7[%dma_wait3A_268] : memref<512xi32, #tpu.memory_space<vmem>> -> memref<64xi32, #tpu.memory_space<vmem>>
    %dma_wait3A_270 = arith.constant 0 : i32
    %dma_wait3A_271 = arith.constant 0 : i32
    %dma_wait3A_272 = tpu.memref_slice %arg4[%dma_wait3A_270, %dma_wait3A_271] : memref<100000x128xf32, #tpu.memory_space<hbm>> -> memref<100000x128xf32, #tpu.memory_space<hbm>>
    tpu.wait_indirect_dma semaphore(%arg29 : memref<!tpu.dma_semaphore, #tpu.memory_space<semaphore_mem>>) src(%dma_wait3A_272 : memref<100000x128xf32, #tpu.memory_space<hbm>>) dst(%arg17 : memref<64x128xf32, #tpu.memory_space<vmem>>)
    %add3A_273 = arith.constant 64 : i32
    %add3A_274 = arith.addi %mul3A_2, %add3A_273 : i32
    %dma_start3A_275 = arith.constant 1 : i32
    %dma_start3A_276 = arith.constant 0 : i32
    %dma_start3A_277 = tpu.memref_slice %arg5[%dma_start3A_275, %add3A_274, %dma_start3A_276] : memref<2x16384x128xf32, #tpu.memory_space<hbm>> -> memref<1x64x128xf32, #tpu.memory_space<hbm>>
    %dma_start3A_278 = tpu.memref_squeeze %dma_start3A_277 : memref<1x64x128xf32, #tpu.memory_space<hbm>> -> memref<64x128xf32, #tpu.memory_space<hbm>>
    %dma_start3A_279 = arith.constant 0 : i32
    %dma_start3A_280 = tpu.memref_slice %arg5[%dma_start3A_275, %add3A_274, %dma_start3A_279] : memref<2x16384x128xf32, #tpu.memory_space<hbm>> -> memref<1x64x128xf32, #tpu.memory_space<hbm>>
    %dma_start3A_281 = tpu.memref_squeeze %dma_start3A_280 : memref<1x64x128xf32, #tpu.memory_space<hbm>> -> memref<64x128xf32, #tpu.memory_space<hbm>>
    tpu.enqueue_dma source(%arg17 : memref<64x128xf32, #tpu.memory_space<vmem>>) target(%dma_start3A_281 : memref<64x128xf32, #tpu.memory_space<hbm>>) target_semaphore(%arg41 : memref<!tpu.dma_semaphore, #tpu.memory_space<semaphore_mem>>)
    %dma_wait3A_282 = arith.constant 128 : i32
    %dma_wait3A_283 = tpu.memref_slice %arg7[%dma_wait3A_282] : memref<512xi32, #tpu.memory_space<vmem>> -> memref<64xi32, #tpu.memory_space<vmem>>
    %dma_wait3A_284 = arith.constant 0 : i32
    %dma_wait3A_285 = arith.constant 0 : i32
    %dma_wait3A_286 = tpu.memref_slice %arg4[%dma_wait3A_284, %dma_wait3A_285] : memref<100000x128xf32, #tpu.memory_space<hbm>> -> memref<100000x128xf32, #tpu.memory_space<hbm>>
    tpu.wait_indirect_dma semaphore(%arg30 : memref<!tpu.dma_semaphore, #tpu.memory_space<semaphore_mem>>) src(%dma_wait3A_286 : memref<100000x128xf32, #tpu.memory_space<hbm>>) dst(%arg18 : memref<64x128xf32, #tpu.memory_space<vmem>>)
    %add3A_287 = arith.constant 128 : i32
    %add3A_288 = arith.addi %mul3A_2, %add3A_287 : i32
    %dma_start3A_289 = arith.constant 1 : i32
    %dma_start3A_290 = arith.constant 0 : i32
    %dma_start3A_291 = tpu.memref_slice %arg5[%dma_start3A_289, %add3A_288, %dma_start3A_290] : memref<2x16384x128xf32, #tpu.memory_space<hbm>> -> memref<1x64x128xf32, #tpu.memory_space<hbm>>
    %dma_start3A_292 = tpu.memref_squeeze %dma_start3A_291 : memref<1x64x128xf32, #tpu.memory_space<hbm>> -> memref<64x128xf32, #tpu.memory_space<hbm>>
    %dma_start3A_293 = arith.constant 0 : i32
    %dma_start3A_294 = tpu.memref_slice %arg5[%dma_start3A_289, %add3A_288, %dma_start3A_293] : memref<2x16384x128xf32, #tpu.memory_space<hbm>> -> memref<1x64x128xf32, #tpu.memory_space<hbm>>
    %dma_start3A_295 = tpu.memref_squeeze %dma_start3A_294 : memref<1x64x128xf32, #tpu.memory_space<hbm>> -> memref<64x128xf32, #tpu.memory_space<hbm>>
    tpu.enqueue_dma source(%arg18 : memref<64x128xf32, #tpu.memory_space<vmem>>) target(%dma_start3A_295 : memref<64x128xf32, #tpu.memory_space<hbm>>) target_semaphore(%arg42 : memref<!tpu.dma_semaphore, #tpu.memory_space<semaphore_mem>>)
    %dma_wait3A_296 = arith.constant 192 : i32
    %dma_wait3A_297 = tpu.memref_slice %arg7[%dma_wait3A_296] : memref<512xi32, #tpu.memory_space<vmem>> -> memref<64xi32, #tpu.memory_space<vmem>>
    %dma_wait3A_298 = arith.constant 0 : i32
    %dma_wait3A_299 = arith.constant 0 : i32
    %dma_wait3A_300 = tpu.memref_slice %arg4[%dma_wait3A_298, %dma_wait3A_299] : memref<100000x128xf32, #tpu.memory_space<hbm>> -> memref<100000x128xf32, #tpu.memory_space<hbm>>
    tpu.wait_indirect_dma semaphore(%arg31 : memref<!tpu.dma_semaphore, #tpu.memory_space<semaphore_mem>>) src(%dma_wait3A_300 : memref<100000x128xf32, #tpu.memory_space<hbm>>) dst(%arg19 : memref<64x128xf32, #tpu.memory_space<vmem>>)
    %add3A_301 = arith.constant 192 : i32
    %add3A_302 = arith.addi %mul3A_2, %add3A_301 : i32
    %dma_start3A_303 = arith.constant 1 : i32
    %dma_start3A_304 = arith.constant 0 : i32
    %dma_start3A_305 = tpu.memref_slice %arg5[%dma_start3A_303, %add3A_302, %dma_start3A_304] : memref<2x16384x128xf32, #tpu.memory_space<hbm>> -> memref<1x64x128xf32, #tpu.memory_space<hbm>>
    %dma_start3A_306 = tpu.memref_squeeze %dma_start3A_305 : memref<1x64x128xf32, #tpu.memory_space<hbm>> -> memref<64x128xf32, #tpu.memory_space<hbm>>
    %dma_start3A_307 = arith.constant 0 : i32
    %dma_start3A_308 = tpu.memref_slice %arg5[%dma_start3A_303, %add3A_302, %dma_start3A_307] : memref<2x16384x128xf32, #tpu.memory_space<hbm>> -> memref<1x64x128xf32, #tpu.memory_space<hbm>>
    %dma_start3A_309 = tpu.memref_squeeze %dma_start3A_308 : memref<1x64x128xf32, #tpu.memory_space<hbm>> -> memref<64x128xf32, #tpu.memory_space<hbm>>
    tpu.enqueue_dma source(%arg19 : memref<64x128xf32, #tpu.memory_space<vmem>>) target(%dma_start3A_309 : memref<64x128xf32, #tpu.memory_space<hbm>>) target_semaphore(%arg43 : memref<!tpu.dma_semaphore, #tpu.memory_space<semaphore_mem>>)
    %dma_wait3A_310 = arith.constant 256 : i32
    %dma_wait3A_311 = tpu.memref_slice %arg7[%dma_wait3A_310] : memref<512xi32, #tpu.memory_space<vmem>> -> memref<64xi32, #tpu.memory_space<vmem>>
    %dma_wait3A_312 = arith.constant 0 : i32
    %dma_wait3A_313 = arith.constant 0 : i32
    %dma_wait3A_314 = tpu.memref_slice %arg4[%dma_wait3A_312, %dma_wait3A_313] : memref<100000x128xf32, #tpu.memory_space<hbm>> -> memref<100000x128xf32, #tpu.memory_space<hbm>>
    tpu.wait_indirect_dma semaphore(%arg20 : memref<!tpu.dma_semaphore, #tpu.memory_space<semaphore_mem>>) src(%dma_wait3A_314 : memref<100000x128xf32, #tpu.memory_space<hbm>>) dst(%arg8 : memref<64x128xf32, #tpu.memory_space<vmem>>)
    %add3A_315 = arith.constant 256 : i32
    %add3A_316 = arith.addi %mul3A_2, %add3A_315 : i32
    %dma_start3A_317 = arith.constant 1 : i32
    %dma_start3A_318 = arith.constant 0 : i32
    %dma_start3A_319 = tpu.memref_slice %arg5[%dma_start3A_317, %add3A_316, %dma_start3A_318] : memref<2x16384x128xf32, #tpu.memory_space<hbm>> -> memref<1x64x128xf32, #tpu.memory_space<hbm>>
    %dma_start3A_320 = tpu.memref_squeeze %dma_start3A_319 : memref<1x64x128xf32, #tpu.memory_space<hbm>> -> memref<64x128xf32, #tpu.memory_space<hbm>>
    %dma_start3A_321 = arith.constant 0 : i32
    %dma_start3A_322 = tpu.memref_slice %arg5[%dma_start3A_317, %add3A_316, %dma_start3A_321] : memref<2x16384x128xf32, #tpu.memory_space<hbm>> -> memref<1x64x128xf32, #tpu.memory_space<hbm>>
    %dma_start3A_323 = tpu.memref_squeeze %dma_start3A_322 : memref<1x64x128xf32, #tpu.memory_space<hbm>> -> memref<64x128xf32, #tpu.memory_space<hbm>>
    tpu.enqueue_dma source(%arg8 : memref<64x128xf32, #tpu.memory_space<vmem>>) target(%dma_start3A_323 : memref<64x128xf32, #tpu.memory_space<hbm>>) target_semaphore(%arg32 : memref<!tpu.dma_semaphore, #tpu.memory_space<semaphore_mem>>)
    %dma_wait3A_324 = arith.constant 320 : i32
    %dma_wait3A_325 = tpu.memref_slice %arg7[%dma_wait3A_324] : memref<512xi32, #tpu.memory_space<vmem>> -> memref<64xi32, #tpu.memory_space<vmem>>
    %dma_wait3A_326 = arith.constant 0 : i32
    %dma_wait3A_327 = arith.constant 0 : i32
    %dma_wait3A_328 = tpu.memref_slice %arg4[%dma_wait3A_326, %dma_wait3A_327] : memref<100000x128xf32, #tpu.memory_space<hbm>> -> memref<100000x128xf32, #tpu.memory_space<hbm>>
    tpu.wait_indirect_dma semaphore(%arg21 : memref<!tpu.dma_semaphore, #tpu.memory_space<semaphore_mem>>) src(%dma_wait3A_328 : memref<100000x128xf32, #tpu.memory_space<hbm>>) dst(%arg9 : memref<64x128xf32, #tpu.memory_space<vmem>>)
    %add3A_329 = arith.constant 320 : i32
    %add3A_330 = arith.addi %mul3A_2, %add3A_329 : i32
    %dma_start3A_331 = arith.constant 1 : i32
    %dma_start3A_332 = arith.constant 0 : i32
    %dma_start3A_333 = tpu.memref_slice %arg5[%dma_start3A_331, %add3A_330, %dma_start3A_332] : memref<2x16384x128xf32, #tpu.memory_space<hbm>> -> memref<1x64x128xf32, #tpu.memory_space<hbm>>
    %dma_start3A_334 = tpu.memref_squeeze %dma_start3A_333 : memref<1x64x128xf32, #tpu.memory_space<hbm>> -> memref<64x128xf32, #tpu.memory_space<hbm>>
    %dma_start3A_335 = arith.constant 0 : i32
    %dma_start3A_336 = tpu.memref_slice %arg5[%dma_start3A_331, %add3A_330, %dma_start3A_335] : memref<2x16384x128xf32, #tpu.memory_space<hbm>> -> memref<1x64x128xf32, #tpu.memory_space<hbm>>
    %dma_start3A_337 = tpu.memref_squeeze %dma_start3A_336 : memref<1x64x128xf32, #tpu.memory_space<hbm>> -> memref<64x128xf32, #tpu.memory_space<hbm>>
    tpu.enqueue_dma source(%arg9 : memref<64x128xf32, #tpu.memory_space<vmem>>) target(%dma_start3A_337 : memref<64x128xf32, #tpu.memory_space<hbm>>) target_semaphore(%arg33 : memref<!tpu.dma_semaphore, #tpu.memory_space<semaphore_mem>>)
    %dma_wait3A_338 = arith.constant 384 : i32
    %dma_wait3A_339 = tpu.memref_slice %arg7[%dma_wait3A_338] : memref<512xi32, #tpu.memory_space<vmem>> -> memref<64xi32, #tpu.memory_space<vmem>>
    %dma_wait3A_340 = arith.constant 0 : i32
    %dma_wait3A_341 = arith.constant 0 : i32
    %dma_wait3A_342 = tpu.memref_slice %arg4[%dma_wait3A_340, %dma_wait3A_341] : memref<100000x128xf32, #tpu.memory_space<hbm>> -> memref<100000x128xf32, #tpu.memory_space<hbm>>
    tpu.wait_indirect_dma semaphore(%arg22 : memref<!tpu.dma_semaphore, #tpu.memory_space<semaphore_mem>>) src(%dma_wait3A_342 : memref<100000x128xf32, #tpu.memory_space<hbm>>) dst(%arg10 : memref<64x128xf32, #tpu.memory_space<vmem>>)
    %add3A_343 = arith.constant 384 : i32
    %add3A_344 = arith.addi %mul3A_2, %add3A_343 : i32
    %dma_start3A_345 = arith.constant 1 : i32
    %dma_start3A_346 = arith.constant 0 : i32
    %dma_start3A_347 = tpu.memref_slice %arg5[%dma_start3A_345, %add3A_344, %dma_start3A_346] : memref<2x16384x128xf32, #tpu.memory_space<hbm>> -> memref<1x64x128xf32, #tpu.memory_space<hbm>>
    %dma_start3A_348 = tpu.memref_squeeze %dma_start3A_347 : memref<1x64x128xf32, #tpu.memory_space<hbm>> -> memref<64x128xf32, #tpu.memory_space<hbm>>
    %dma_start3A_349 = arith.constant 0 : i32
    %dma_start3A_350 = tpu.memref_slice %arg5[%dma_start3A_345, %add3A_344, %dma_start3A_349] : memref<2x16384x128xf32, #tpu.memory_space<hbm>> -> memref<1x64x128xf32, #tpu.memory_space<hbm>>
    %dma_start3A_351 = tpu.memref_squeeze %dma_start3A_350 : memref<1x64x128xf32, #tpu.memory_space<hbm>> -> memref<64x128xf32, #tpu.memory_space<hbm>>
    tpu.enqueue_dma source(%arg10 : memref<64x128xf32, #tpu.memory_space<vmem>>) target(%dma_start3A_351 : memref<64x128xf32, #tpu.memory_space<hbm>>) target_semaphore(%arg34 : memref<!tpu.dma_semaphore, #tpu.memory_space<semaphore_mem>>)
    %dma_wait3A_352 = arith.constant 448 : i32
    %dma_wait3A_353 = tpu.memref_slice %arg7[%dma_wait3A_352] : memref<512xi32, #tpu.memory_space<vmem>> -> memref<64xi32, #tpu.memory_space<vmem>>
    %dma_wait3A_354 = arith.constant 0 : i32
    %dma_wait3A_355 = arith.constant 0 : i32
    %dma_wait3A_356 = tpu.memref_slice %arg4[%dma_wait3A_354, %dma_wait3A_355] : memref<100000x128xf32, #tpu.memory_space<hbm>> -> memref<100000x128xf32, #tpu.memory_space<hbm>>
    tpu.wait_indirect_dma semaphore(%arg23 : memref<!tpu.dma_semaphore, #tpu.memory_space<semaphore_mem>>) src(%dma_wait3A_356 : memref<100000x128xf32, #tpu.memory_space<hbm>>) dst(%arg11 : memref<64x128xf32, #tpu.memory_space<vmem>>)
    %add3A_357 = arith.constant 448 : i32
    %add3A_358 = arith.addi %mul3A_2, %add3A_357 : i32
    %dma_start3A_359 = arith.constant 1 : i32
    %dma_start3A_360 = arith.constant 0 : i32
    %dma_start3A_361 = tpu.memref_slice %arg5[%dma_start3A_359, %add3A_358, %dma_start3A_360] : memref<2x16384x128xf32, #tpu.memory_space<hbm>> -> memref<1x64x128xf32, #tpu.memory_space<hbm>>
    %dma_start3A_362 = tpu.memref_squeeze %dma_start3A_361 : memref<1x64x128xf32, #tpu.memory_space<hbm>> -> memref<64x128xf32, #tpu.memory_space<hbm>>
    %dma_start3A_363 = arith.constant 0 : i32
    %dma_start3A_364 = tpu.memref_slice %arg5[%dma_start3A_359, %add3A_358, %dma_start3A_363] : memref<2x16384x128xf32, #tpu.memory_space<hbm>> -> memref<1x64x128xf32, #tpu.memory_space<hbm>>
    %dma_start3A_365 = tpu.memref_squeeze %dma_start3A_364 : memref<1x64x128xf32, #tpu.memory_space<hbm>> -> memref<64x128xf32, #tpu.memory_space<hbm>>
    tpu.enqueue_dma source(%arg11 : memref<64x128xf32, #tpu.memory_space<vmem>>) target(%dma_start3A_365 : memref<64x128xf32, #tpu.memory_space<hbm>>) target_semaphore(%arg35 : memref<!tpu.dma_semaphore, #tpu.memory_space<semaphore_mem>>)
    %dma_wait3A_366 = arith.constant 0 : i32
    %dma_wait3A_367 = arith.constant 0 : i32
    %dma_wait3A_368 = tpu.memref_slice %arg5[%dma_wait3A_366, %add3A_141, %dma_wait3A_367] : memref<2x16384x128xf32, #tpu.memory_space<hbm>> -> memref<1x64x128xf32, #tpu.memory_space<hbm>>
    %dma_wait3A_369 = tpu.memref_squeeze %dma_wait3A_368 : memref<1x64x128xf32, #tpu.memory_space<hbm>> -> memref<64x128xf32, #tpu.memory_space<hbm>>
    %dma_wait3A_370 = arith.constant 0 : i32
    %dma_wait3A_371 = tpu.memref_slice %arg5[%dma_wait3A_366, %add3A_141, %dma_wait3A_370] : memref<2x16384x128xf32, #tpu.memory_space<hbm>> -> memref<1x64x128xf32, #tpu.memory_space<hbm>>
    %dma_wait3A_372 = tpu.memref_squeeze %dma_wait3A_371 : memref<1x64x128xf32, #tpu.memory_space<hbm>> -> memref<64x128xf32, #tpu.memory_space<hbm>>
    tpu.wait_dma2 semaphore(%arg36 : memref<!tpu.dma_semaphore, #tpu.memory_space<semaphore_mem>>) src(%arg12 : memref<64x128xf32, #tpu.memory_space<vmem>>) dst(%dma_wait3A_372 : memref<64x128xf32, #tpu.memory_space<hbm>>)
    %dma_wait3A_373 = arith.constant 0 : i32
    %dma_wait3A_374 = arith.constant 0 : i32
    %dma_wait3A_375 = tpu.memref_slice %arg5[%dma_wait3A_373, %add3A_162, %dma_wait3A_374] : memref<2x16384x128xf32, #tpu.memory_space<hbm>> -> memref<1x64x128xf32, #tpu.memory_space<hbm>>
    %dma_wait3A_376 = tpu.memref_squeeze %dma_wait3A_375 : memref<1x64x128xf32, #tpu.memory_space<hbm>> -> memref<64x128xf32, #tpu.memory_space<hbm>>
    %dma_wait3A_377 = arith.constant 0 : i32
    %dma_wait3A_378 = tpu.memref_slice %arg5[%dma_wait3A_373, %add3A_162, %dma_wait3A_377] : memref<2x16384x128xf32, #tpu.memory_space<hbm>> -> memref<1x64x128xf32, #tpu.memory_space<hbm>>
    %dma_wait3A_379 = tpu.memref_squeeze %dma_wait3A_378 : memref<1x64x128xf32, #tpu.memory_space<hbm>> -> memref<64x128xf32, #tpu.memory_space<hbm>>
    tpu.wait_dma2 semaphore(%arg37 : memref<!tpu.dma_semaphore, #tpu.memory_space<semaphore_mem>>) src(%arg13 : memref<64x128xf32, #tpu.memory_space<vmem>>) dst(%dma_wait3A_379 : memref<64x128xf32, #tpu.memory_space<hbm>>)
    %dma_wait3A_380 = arith.constant 0 : i32
    %dma_wait3A_381 = arith.constant 0 : i32
    %dma_wait3A_382 = tpu.memref_slice %arg5[%dma_wait3A_380, %add3A_190, %dma_wait3A_381] : memref<2x16384x128xf32, #tpu.memory_space<hbm>> -> memref<1x64x128xf32, #tpu.memory_space<hbm>>
    %dma_wait3A_383 = tpu.memref_squeeze %dma_wait3A_382 : memref<1x64x128xf32, #tpu.memory_space<hbm>> -> memref<64x128xf32, #tpu.memory_space<hbm>>
    %dma_wait3A_384 = arith.constant 0 : i32
    %dma_wait3A_385 = tpu.memref_slice %arg5[%dma_wait3A_380, %add3A_190, %dma_wait3A_384] : memref<2x16384x128xf32, #tpu.memory_space<hbm>> -> memref<1x64x128xf32, #tpu.memory_space<hbm>>
    %dma_wait3A_386 = tpu.memref_squeeze %dma_wait3A_385 : memref<1x64x128xf32, #tpu.memory_space<hbm>> -> memref<64x128xf32, #tpu.memory_space<hbm>>
    tpu.wait_dma2 semaphore(%arg38 : memref<!tpu.dma_semaphore, #tpu.memory_space<semaphore_mem>>) src(%arg14 : memref<64x128xf32, #tpu.memory_space<vmem>>) dst(%dma_wait3A_386 : memref<64x128xf32, #tpu.memory_space<hbm>>)
    %dma_wait3A_387 = arith.constant 0 : i32
    %dma_wait3A_388 = arith.constant 0 : i32
    %dma_wait3A_389 = tpu.memref_slice %arg5[%dma_wait3A_387, %add3A_218, %dma_wait3A_388] : memref<2x16384x128xf32, #tpu.memory_space<hbm>> -> memref<1x64x128xf32, #tpu.memory_space<hbm>>
    %dma_wait3A_390 = tpu.memref_squeeze %dma_wait3A_389 : memref<1x64x128xf32, #tpu.memory_space<hbm>> -> memref<64x128xf32, #tpu.memory_space<hbm>>
    %dma_wait3A_391 = arith.constant 0 : i32
    %dma_wait3A_392 = tpu.memref_slice %arg5[%dma_wait3A_387, %add3A_218, %dma_wait3A_391] : memref<2x16384x128xf32, #tpu.memory_space<hbm>> -> memref<1x64x128xf32, #tpu.memory_space<hbm>>
    %dma_wait3A_393 = tpu.memref_squeeze %dma_wait3A_392 : memref<1x64x128xf32, #tpu.memory_space<hbm>> -> memref<64x128xf32, #tpu.memory_space<hbm>>
    tpu.wait_dma2 semaphore(%arg39 : memref<!tpu.dma_semaphore, #tpu.memory_space<semaphore_mem>>) src(%arg15 : memref<64x128xf32, #tpu.memory_space<vmem>>) dst(%dma_wait3A_393 : memref<64x128xf32, #tpu.memory_space<hbm>>)
    %dma_wait3A_394 = arith.constant 1 : i32
    %dma_wait3A_395 = arith.constant 0 : i32
    %dma_wait3A_396 = tpu.memref_slice %arg5[%dma_wait3A_394, %add3A_246, %dma_wait3A_395] : memref<2x16384x128xf32, #tpu.memory_space<hbm>> -> memref<1x64x128xf32, #tpu.memory_space<hbm>>
    %dma_wait3A_397 = tpu.memref_squeeze %dma_wait3A_396 : memref<1x64x128xf32, #tpu.memory_space<hbm>> -> memref<64x128xf32, #tpu.memory_space<hbm>>
    %dma_wait3A_398 = arith.constant 0 : i32
    %dma_wait3A_399 = tpu.memref_slice %arg5[%dma_wait3A_394, %add3A_246, %dma_wait3A_398] : memref<2x16384x128xf32, #tpu.memory_space<hbm>> -> memref<1x64x128xf32, #tpu.memory_space<hbm>>
    %dma_wait3A_400 = tpu.memref_squeeze %dma_wait3A_399 : memref<1x64x128xf32, #tpu.memory_space<hbm>> -> memref<64x128xf32, #tpu.memory_space<hbm>>
    tpu.wait_dma2 semaphore(%arg40 : memref<!tpu.dma_semaphore, #tpu.memory_space<semaphore_mem>>) src(%arg16 : memref<64x128xf32, #tpu.memory_space<vmem>>) dst(%dma_wait3A_400 : memref<64x128xf32, #tpu.memory_space<hbm>>)
    %dma_wait3A_401 = arith.constant 1 : i32
    %dma_wait3A_402 = arith.constant 0 : i32
    %dma_wait3A_403 = tpu.memref_slice %arg5[%dma_wait3A_401, %add3A_274, %dma_wait3A_402] : memref<2x16384x128xf32, #tpu.memory_space<hbm>> -> memref<1x64x128xf32, #tpu.memory_space<hbm>>
    %dma_wait3A_404 = tpu.memref_squeeze %dma_wait3A_403 : memref<1x64x128xf32, #tpu.memory_space<hbm>> -> memref<64x128xf32, #tpu.memory_space<hbm>>
    %dma_wait3A_405 = arith.constant 0 : i32
    %dma_wait3A_406 = tpu.memref_slice %arg5[%dma_wait3A_401, %add3A_274, %dma_wait3A_405] : memref<2x16384x128xf32, #tpu.memory_space<hbm>> -> memref<1x64x128xf32, #tpu.memory_space<hbm>>
    %dma_wait3A_407 = tpu.memref_squeeze %dma_wait3A_406 : memref<1x64x128xf32, #tpu.memory_space<hbm>> -> memref<64x128xf32, #tpu.memory_space<hbm>>
    tpu.wait_dma2 semaphore(%arg41 : memref<!tpu.dma_semaphore, #tpu.memory_space<semaphore_mem>>) src(%arg17 : memref<64x128xf32, #tpu.memory_space<vmem>>) dst(%dma_wait3A_407 : memref<64x128xf32, #tpu.memory_space<hbm>>)
    %dma_wait3A_408 = arith.constant 1 : i32
    %dma_wait3A_409 = arith.constant 0 : i32
    %dma_wait3A_410 = tpu.memref_slice %arg5[%dma_wait3A_408, %add3A_288, %dma_wait3A_409] : memref<2x16384x128xf32, #tpu.memory_space<hbm>> -> memref<1x64x128xf32, #tpu.memory_space<hbm>>
    %dma_wait3A_411 = tpu.memref_squeeze %dma_wait3A_410 : memref<1x64x128xf32, #tpu.memory_space<hbm>> -> memref<64x128xf32, #tpu.memory_space<hbm>>
    %dma_wait3A_412 = arith.constant 0 : i32
    %dma_wait3A_413 = tpu.memref_slice %arg5[%dma_wait3A_408, %add3A_288, %dma_wait3A_412] : memref<2x16384x128xf32, #tpu.memory_space<hbm>> -> memref<1x64x128xf32, #tpu.memory_space<hbm>>
    %dma_wait3A_414 = tpu.memref_squeeze %dma_wait3A_413 : memref<1x64x128xf32, #tpu.memory_space<hbm>> -> memref<64x128xf32, #tpu.memory_space<hbm>>
    tpu.wait_dma2 semaphore(%arg42 : memref<!tpu.dma_semaphore, #tpu.memory_space<semaphore_mem>>) src(%arg18 : memref<64x128xf32, #tpu.memory_space<vmem>>) dst(%dma_wait3A_414 : memref<64x128xf32, #tpu.memory_space<hbm>>)
    %dma_wait3A_415 = arith.constant 1 : i32
    %dma_wait3A_416 = arith.constant 0 : i32
    %dma_wait3A_417 = tpu.memref_slice %arg5[%dma_wait3A_415, %add3A_302, %dma_wait3A_416] : memref<2x16384x128xf32, #tpu.memory_space<hbm>> -> memref<1x64x128xf32, #tpu.memory_space<hbm>>
    %dma_wait3A_418 = tpu.memref_squeeze %dma_wait3A_417 : memref<1x64x128xf32, #tpu.memory_space<hbm>> -> memref<64x128xf32, #tpu.memory_space<hbm>>
    %dma_wait3A_419 = arith.constant 0 : i32
    %dma_wait3A_420 = tpu.memref_slice %arg5[%dma_wait3A_415, %add3A_302, %dma_wait3A_419] : memref<2x16384x128xf32, #tpu.memory_space<hbm>> -> memref<1x64x128xf32, #tpu.memory_space<hbm>>
    %dma_wait3A_421 = tpu.memref_squeeze %dma_wait3A_420 : memref<1x64x128xf32, #tpu.memory_space<hbm>> -> memref<64x128xf32, #tpu.memory_space<hbm>>
    tpu.wait_dma2 semaphore(%arg43 : memref<!tpu.dma_semaphore, #tpu.memory_space<semaphore_mem>>) src(%arg19 : memref<64x128xf32, #tpu.memory_space<vmem>>) dst(%dma_wait3A_421 : memref<64x128xf32, #tpu.memory_space<hbm>>)
    %dma_wait3A_422 = arith.constant 1 : i32
    %dma_wait3A_423 = arith.constant 0 : i32
    %dma_wait3A_424 = tpu.memref_slice %arg5[%dma_wait3A_422, %add3A_316, %dma_wait3A_423] : memref<2x16384x128xf32, #tpu.memory_space<hbm>> -> memref<1x64x128xf32, #tpu.memory_space<hbm>>
    %dma_wait3A_425 = tpu.memref_squeeze %dma_wait3A_424 : memref<1x64x128xf32, #tpu.memory_space<hbm>> -> memref<64x128xf32, #tpu.memory_space<hbm>>
    %dma_wait3A_426 = arith.constant 0 : i32
    %dma_wait3A_427 = tpu.memref_slice %arg5[%dma_wait3A_422, %add3A_316, %dma_wait3A_426] : memref<2x16384x128xf32, #tpu.memory_space<hbm>> -> memref<1x64x128xf32, #tpu.memory_space<hbm>>
    %dma_wait3A_428 = tpu.memref_squeeze %dma_wait3A_427 : memref<1x64x128xf32, #tpu.memory_space<hbm>> -> memref<64x128xf32, #tpu.memory_space<hbm>>
    tpu.wait_dma2 semaphore(%arg32 : memref<!tpu.dma_semaphore, #tpu.memory_space<semaphore_mem>>) src(%arg8 : memref<64x128xf32, #tpu.memory_space<vmem>>) dst(%dma_wait3A_428 : memref<64x128xf32, #tpu.memory_space<hbm>>)
    %dma_wait3A_429 = arith.constant 1 : i32
    %dma_wait3A_430 = arith.constant 0 : i32
    %dma_wait3A_431 = tpu.memref_slice %arg5[%dma_wait3A_429, %add3A_330, %dma_wait3A_430] : memref<2x16384x128xf32, #tpu.memory_space<hbm>> -> memref<1x64x128xf32, #tpu.memory_space<hbm>>
    %dma_wait3A_432 = tpu.memref_squeeze %dma_wait3A_431 : memref<1x64x128xf32, #tpu.memory_space<hbm>> -> memref<64x128xf32, #tpu.memory_space<hbm>>
    %dma_wait3A_433 = arith.constant 0 : i32
    %dma_wait3A_434 = tpu.memref_slice %arg5[%dma_wait3A_429, %add3A_330, %dma_wait3A_433] : memref<2x16384x128xf32, #tpu.memory_space<hbm>> -> memref<1x64x128xf32, #tpu.memory_space<hbm>>
    %dma_wait3A_435 = tpu.memref_squeeze %dma_wait3A_434 : memref<1x64x128xf32, #tpu.memory_space<hbm>> -> memref<64x128xf32, #tpu.memory_space<hbm>>
    tpu.wait_dma2 semaphore(%arg33 : memref<!tpu.dma_semaphore, #tpu.memory_space<semaphore_mem>>) src(%arg9 : memref<64x128xf32, #tpu.memory_space<vmem>>) dst(%dma_wait3A_435 : memref<64x128xf32, #tpu.memory_space<hbm>>)
    %dma_wait3A_436 = arith.constant 1 : i32
    %dma_wait3A_437 = arith.constant 0 : i32
    %dma_wait3A_438 = tpu.memref_slice %arg5[%dma_wait3A_436, %add3A_344, %dma_wait3A_437] : memref<2x16384x128xf32, #tpu.memory_space<hbm>> -> memref<1x64x128xf32, #tpu.memory_space<hbm>>
    %dma_wait3A_439 = tpu.memref_squeeze %dma_wait3A_438 : memref<1x64x128xf32, #tpu.memory_space<hbm>> -> memref<64x128xf32, #tpu.memory_space<hbm>>
    %dma_wait3A_440 = arith.constant 0 : i32
    %dma_wait3A_441 = tpu.memref_slice %arg5[%dma_wait3A_436, %add3A_344, %dma_wait3A_440] : memref<2x16384x128xf32, #tpu.memory_space<hbm>> -> memref<1x64x128xf32, #tpu.memory_space<hbm>>
    %dma_wait3A_442 = tpu.memref_squeeze %dma_wait3A_441 : memref<1x64x128xf32, #tpu.memory_space<hbm>> -> memref<64x128xf32, #tpu.memory_space<hbm>>
    tpu.wait_dma2 semaphore(%arg34 : memref<!tpu.dma_semaphore, #tpu.memory_space<semaphore_mem>>) src(%arg10 : memref<64x128xf32, #tpu.memory_space<vmem>>) dst(%dma_wait3A_442 : memref<64x128xf32, #tpu.memory_space<hbm>>)
    %dma_wait3A_443 = arith.constant 1 : i32
    %dma_wait3A_444 = arith.constant 0 : i32
    %dma_wait3A_445 = tpu.memref_slice %arg5[%dma_wait3A_443, %add3A_358, %dma_wait3A_444] : memref<2x16384x128xf32, #tpu.memory_space<hbm>> -> memref<1x64x128xf32, #tpu.memory_space<hbm>>
    %dma_wait3A_446 = tpu.memref_squeeze %dma_wait3A_445 : memref<1x64x128xf32, #tpu.memory_space<hbm>> -> memref<64x128xf32, #tpu.memory_space<hbm>>
    %dma_wait3A_447 = arith.constant 0 : i32
    %dma_wait3A_448 = tpu.memref_slice %arg5[%dma_wait3A_443, %add3A_358, %dma_wait3A_447] : memref<2x16384x128xf32, #tpu.memory_space<hbm>> -> memref<1x64x128xf32, #tpu.memory_space<hbm>>
    %dma_wait3A_449 = tpu.memref_squeeze %dma_wait3A_448 : memref<1x64x128xf32, #tpu.memory_space<hbm>> -> memref<64x128xf32, #tpu.memory_space<hbm>>
    tpu.wait_dma2 semaphore(%arg35 : memref<!tpu.dma_semaphore, #tpu.memory_space<semaphore_mem>>) src(%arg11 : memref<64x128xf32, #tpu.memory_space<vmem>>) dst(%dma_wait3A_449 : memref<64x128xf32, #tpu.memory_space<hbm>>)
    return
  }
}

module attributes {stable_mosaic.version = 14 : i64} {
  func.func @_mlp_body(%arg0: i32, %arg1: memref<1x2048x128xf32, #tpu.memory_space<vmem>>, %arg2: memref<1x2048x128xf32, #tpu.memory_space<vmem>>, %arg3: memref<128x128xf32, #tpu.memory_space<vmem>>, %arg4: memref<128x128xf32, #tpu.memory_space<vmem>>, %arg5: memref<128xf32, #tpu.memory_space<vmem>>, %arg6: memref<128x128xf32, #tpu.memory_space<vmem>>, %arg7: memref<2048x128xf32, #tpu.memory_space<vmem>>) attributes {dimension_semantics = [#tpu.dimension_semantics<arbitrary>], iteration_bounds = array<i64: 8>, scalar_prefetch = 0 : i64, scratch_operands = 0 : i64, tpu.core_type = #tpu.core_type<tc>, window_params = [{transform_indices = @transform_0, window_bounds = array<i64: 1, 2048, 128>}, {transform_indices = @transform_1, window_bounds = array<i64: 1, 2048, 128>}, {pipeline_mode = #tpu.pipeline_mode<synchronous>, transform_indices = @transform_2, window_bounds = array<i64: 128, 128>}, {pipeline_mode = #tpu.pipeline_mode<synchronous>, transform_indices = @transform_3, window_bounds = array<i64: 128, 128>}, {pipeline_mode = #tpu.pipeline_mode<synchronous>, transform_indices = @transform_4, window_bounds = array<i64: 128>}, {pipeline_mode = #tpu.pipeline_mode<synchronous>, transform_indices = @transform_5, window_bounds = array<i64: 128, 128>}, {transform_indices = @transform_6, window_bounds = array<i64: 2048, 128>}]} {
    %get3A = arith.constant 0 : index
    %get3A_0 = arith.constant 0 : index
    %get3A_1 = arith.constant 0 : index
    %get3A_2 = vector.load %arg1[%get3A, %get3A_0, %get3A_1] : memref<1x2048x128xf32, #tpu.memory_space<vmem>>, vector<1x2048x128xf32>
    %get3A_3 = vector.shape_cast %get3A_2 : vector<1x2048x128xf32> to vector<2048x128xf32>
    %get3A_4 = arith.constant 0 : index
    %get3A_5 = arith.constant 0 : index
    %get3A_6 = vector.load %arg3[%get3A_4, %get3A_5] : memref<128x128xf32, #tpu.memory_space<vmem>>, vector<128x128xf32>
    %dot_general3A = arith.constant dense<0.000000e+00> : vector<2048x128xf32>
    %dot_general3A_7 = tpu.matmul %get3A_3, %get3A_6, %dot_general3A {dimension_numbers = #tpu.dot_dimension_numbers<[1], [0], [0], [1], [0, 0, 1, 1], [], []>, transpose_lhs_hint = false} : vector<2048x128xf32>, vector<128x128xf32>, vector<2048x128xf32> -> vector<2048x128xf32>
    %get3A_8 = arith.constant 0 : index
    %get3A_9 = arith.constant 0 : index
    %get3A_10 = arith.constant 0 : index
    %get3A_11 = vector.load %arg2[%get3A_8, %get3A_9, %get3A_10] : memref<1x2048x128xf32, #tpu.memory_space<vmem>>, vector<1x2048x128xf32>
    %get3A_12 = vector.shape_cast %get3A_11 : vector<1x2048x128xf32> to vector<2048x128xf32>
    %get3A_13 = arith.constant 0 : index
    %get3A_14 = arith.constant 0 : index
    %get3A_15 = vector.load %arg4[%get3A_13, %get3A_14] : memref<128x128xf32, #tpu.memory_space<vmem>>, vector<128x128xf32>
    %dot_general3A_16 = arith.constant dense<0.000000e+00> : vector<2048x128xf32>
    %dot_general3A_17 = tpu.matmul %get3A_12, %get3A_15, %dot_general3A_16 {dimension_numbers = #tpu.dot_dimension_numbers<[1], [0], [0], [1], [0, 0, 1, 1], [], []>, transpose_lhs_hint = false} : vector<2048x128xf32>, vector<128x128xf32>, vector<2048x128xf32> -> vector<2048x128xf32>
    %add3A = arith.addf %dot_general3A_7, %dot_general3A_17 : vector<2048x128xf32>
    %get3A_18 = arith.constant 0 : index
    %get3A_19 = vector.load %arg5[%get3A_18] : memref<128xf32, #tpu.memory_space<vmem>>, vector<128xf32>
    %broadcast_in_dim3A = vector.shape_cast %get3A_19 : vector<128xf32> to vector<1x128xf32>
    %add3A_20 = vector.broadcast %broadcast_in_dim3A : vector<1x128xf32> to vector<2048x128xf32>
    %add3A_21 = arith.addf %add3A, %add3A_20 : vector<2048x128xf32>
    %max3A = arith.constant 0.000000e+00 : f32
    %max3A_22 = vector.broadcast %max3A : f32 to vector<2048x128xf32>
    %max3A_23 = arith.maximumf %add3A_21, %max3A_22 : vector<2048x128xf32>
    %get3A_24 = arith.constant 0 : index
    %get3A_25 = arith.constant 0 : index
    %get3A_26 = vector.load %arg6[%get3A_24, %get3A_25] : memref<128x128xf32, #tpu.memory_space<vmem>>, vector<128x128xf32>
    %dot_general3A_27 = arith.constant dense<0.000000e+00> : vector<2048x128xf32>
    %dot_general3A_28 = tpu.matmul %max3A_23, %get3A_26, %dot_general3A_27 {dimension_numbers = #tpu.dot_dimension_numbers<[1], [0], [0], [1], [0, 0, 1, 1], [], []>, transpose_lhs_hint = false} : vector<2048x128xf32>, vector<128x128xf32>, vector<2048x128xf32> -> vector<2048x128xf32>
    %swap3A = arith.constant 0 : index
    %swap3A_29 = arith.constant 0 : index
    %swap3A_30 = vector.load %arg7[%swap3A, %swap3A_29] : memref<2048x128xf32, #tpu.memory_space<vmem>>, vector<2048x128xf32>
    tpu.vector_store %arg7[%swap3A, %swap3A_29], %dot_general3A_28 {strides = array<i32>} : memref<2048x128xf32, #tpu.memory_space<vmem>>, vector<2048x128xf32>,
    return
  }
  func.func @transform_0(%arg0: i32) -> (i32, i32, i32) {
    %c0_i32 = arith.constant 0 : i32
    %c0_i32_0 = arith.constant 0 : i32
    %c0_i32_1 = arith.constant 0 : i32
    return %c0_i32, %arg0, %c0_i32_0 : i32, i32, i32
  }
  func.func @transform_1(%arg0: i32) -> (i32, i32, i32) {
    %c1_i32 = arith.constant 1 : i32
    %c0_i32 = arith.constant 0 : i32
    %c0_i32_0 = arith.constant 0 : i32
    return %c1_i32, %arg0, %c0_i32 : i32, i32, i32
  }
  func.func @transform_2(%arg0: i32) -> (i32, i32) {
    %c0_i32 = arith.constant 0 : i32
    %c0_i32_0 = arith.constant 0 : i32
    %c0_i32_1 = arith.constant 0 : i32
    return %c0_i32, %c0_i32_0 : i32, i32
  }
  func.func @transform_3(%arg0: i32) -> (i32, i32) {
    %c0_i32 = arith.constant 0 : i32
    %c0_i32_0 = arith.constant 0 : i32
    %c0_i32_1 = arith.constant 0 : i32
    return %c0_i32, %c0_i32_0 : i32, i32
  }
  func.func @transform_4(%arg0: i32) -> i32 {
    %c0_i32 = arith.constant 0 : i32
    %c0_i32_0 = arith.constant 0 : i32
    return %c0_i32 : i32
  }
  func.func @transform_5(%arg0: i32) -> (i32, i32) {
    %c0_i32 = arith.constant 0 : i32
    %c0_i32_0 = arith.constant 0 : i32
    %c0_i32_1 = arith.constant 0 : i32
    return %c0_i32, %c0_i32_0 : i32, i32
  }
  func.func @transform_6(%arg0: i32) -> (i32, i32) {
    %c0_i32 = arith.constant 0 : i32
    %c0_i32_0 = arith.constant 0 : i32
    return %arg0, %c0_i32 : i32, i32
  }
}

</mosaic_0001>

<sc_bundles>
// kernel: kernel.4.cloned.1.call-start
scs
__scs_entry_jumppad:
0x0: {  	(pc) =	sbr.rel $0x88, $3  }
0x1: {  	(tag) =	ssettag $0x0;
	lr =	simm.s32 $0x1  }
0x2: {  	[smem:$0x3F9B] =	sst lr;
	_ =	strace $0xD0000000  }
0x3: {  	_ = 	snop  }
0x4: {  	_ = 	snop  }
0x5: {  	_ = 	snop  }
0x6: {  	_ = 	snop  }
0x7: {  	_ = 	snop  }
__scs_overlays_trampoline_lowered:
0x8: {  	[smem:$0x3FAA] =	sst s0  }
0x9: {  	[smem:$0x3FAB] =	sst s1  }
0xa: {  	[smem:$0x3FAC] =	sst s2  }
0xb: {  	[smem:$0x3FAD] =	sst s3  }
0xc: {  	[smem:$0x3FAE] =	sst s4  }
0xd: {  	[smem:$0x3FAF] =	sst s5  }
0xe: {  	[smem:$0x3FB0] =	sst s6  }
0xf: {  	[smem:$0x3FB1] =	sst s7  }
0x10: {  	[smem:$0x3FB2] =	sst s8  }
0x11: {  	[smem:$0x3FB3] =	sst s9;
	s0 =	simm.s32 @!p0 $0x0  }
0x12: {  	s1 =	sld [smem:$0x3F99];
	s0 =	simm.s32 @p0 $0x1  }
0x13: {  	[smem:$0x3FB4] =	sst s0;
	s0 =	simm.s32 @!p1 $0x0  }
0x14: {  	s2 =	sld [smem:$0x3F98];
	s0 =	simm.s32 @p1 $0x1  }
0x15: {  	[smem:$0x3FB5] =	sst s0;
	s0 =	simm.s32 @!p2 $0x0  }
0x16: {  	s3 =	sld [smem:$0x3FDB];
	s0 =	simm.s32 @p2 $0x1  }
0x17: {  	s4 =	simm.s32 $0x1BF5;
	[smem:$0x3FB7] =	sst s0  }
0x18: {  	s0 =	sld [smem:$0x3F9A];
	_ =	swait.ge [sflag:s4], $0x0  }
0x19: {  	s7 =	sld [smem:$0x3F9B]  }
0x1a: {  	s8 =	sadd.s32 $0xFFFFE003, lr  }
0x1b: {  	s9 =	sadd.s32 $0xFFFFFEF7, lr;
	s5 =	simm.s32 $0xFFFFFFFF;
	p2 =	slt.u32 s8, $0xFFFFF086  }
0x1c: {  	p1 =	slt.u32 s9, $0xF7A;
	s5 =	simm.s32 @!p2 $0x0  }
0x1d: {  	s5 =	simm.s32 @p1 $0x1;
	p0 =	seq.s32 s7, s2  }
0x1e: {  	s7 =	smul.u32 @!p0 $0xF7A, s2;
	p2 =	seq.s32 @!p0 s5, $0x0  }
0x1f: {  	s9 =	smul.u32 $0xF7A, s1;
	s8 =	simm.s32 @!p0 $0x1BF5;
	p2 =	por !p2, p0  }
0x20: {  	[sflag:s8] =	ssyncset.s32 @!p0 $0xFFFFF086;
	s6 =	sadd.s32 @!p0 s3, s7;
	s7 =	simm.s32 @!p0 $0x108  }
0x21: {  	s3 =	sadd.s32 s3, s9;
	s6 =	sadd.s32 @!p0 $0x88, s6;
	s7 =	simm.s32 @p2 $0x1082  }
0x22: {  	[simem:s7], [sflag:s8] =	dma.local @!p0 [hbm:s6], $0xF7A  }
0x23: {  	s9 =	sor.u32 $0xD0000000, s2;
	s6 =	simm.s32 $0x108;
	_ =	swait.ge @!p0 [sflag:s8], $0x0  }
0x24: {  	s3 =	sadd.s32 $0x88, s3;
	s6 =	simm.s32 @!p1 $0x1082;
	[sflag:s4] =	ssyncset.s32 $0xFFFFF086  }
0x25: {  	[simem:s6], [sflag:s4] =	dma.local [hbm:s3], $0xF7A  }
0x26: {  	[smem:$0x3F9B] =	sst s1;
	(tag) =	ssettag s2;
	_ =	strace s9  }
0x27: {  	s1 =	sld [smem:$0x3FAB]  }
0x28: {  	s2 =	sld [smem:$0x3FAC]  }
0x29: {  	s4 =	sld [smem:$0x3FAE]  }
0x2a: {  	p0 =	seq.s32 s5, $0x0;
	s5 =	sld [smem:$0x3FAF]  }
0x2b: {  	s6 =	sld [smem:$0x3FB0]  }
0x2c: {  	s7 =	sld [smem:$0x3FB1]  }
0x2d: {  	s3 =	simm.s32 $0x108;
	s8 =	sld [smem:$0x3FB2]  }
0x2e: {  	s3 =	simm.s32 @!p0 $0x1082;
	s9 =	sld [smem:$0x3FB3]  }
0x2f: {  	lr =	sadd.s32 s0, s3;
	s0 =	sld [smem:$0x3FAA]  }
0x30: {  	s3 =	sld [smem:$0x3FAD]  }
0x31: {  	[smem:$0x3FB6] =	sst s10  }
0x32: {  	s10 =	sld [smem:$0x3FB4];
	_ =	sdelay $0x3  }
0x33: {  	p0 =	seq.s32 s10, $0x1;
	s10 =	sld [smem:$0x3FB6];
	_ =	sdelay $0x3  }
0x34: {  	[smem:$0x3FB6] =	sst s10  }
0x35: {  	s10 =	sld [smem:$0x3FB5];
	_ =	sdelay $0x3  }
0x36: {  	p1 =	seq.s32 s10, $0x1;
	s10 =	sld [smem:$0x3FB6];
	_ =	sdelay $0x3  }
0x37: {  	[smem:$0x3FB6] =	sst s10  }
0x38: {  	s10 =	sld [smem:$0x3FB7]  }
0x39: {  	_ = 	snop;
	(pc) =	sbr.ind lr, $3  }
0x3a: {  	_ = 	snop  }
0x3b: {  	_ = 	snop  }
0x3c: {  	p2 =	seq.s32 s10, $0x1;
	s10 =	sld [smem:$0x3FB6]  }
0x3d: {  	_ =	shalt  }
0x3e: {  	_ =	shalt  }
0x3f: {  	_ =	shalt  }
0x40: {  	_ =	shalt  }
0x41: {  	_ =	shalt  }
0x42: {  	_ =	shalt  }
0x43: {  	_ =	shalt  }
0x44: {  	_ =	shalt  }
0x45: {  	_ =	shalt  }
0x46: {  	_ =	shalt  }
0x47: {  	_ =	shalt  }
0x48: {  	_ =	shalt  }
0x49: {  	_ =	shalt  }
0x4a: {  	_ =	shalt  }
0x4b: {  	_ =	shalt  }
0x4c: {  	_ =	shalt  }
0x4d: {  	_ =	shalt  }
0x4e: {  	_ =	shalt  }
0x4f: {  	_ =	shalt  }
0x50: {  	_ =	shalt  }
0x51: {  	_ =	shalt  }
0x52: {  	_ =	shalt  }
0x53: {  	_ =	shalt  }
0x54: {  	_ =	shalt  }
0x55: {  	_ =	shalt  }
0x56: {  	_ =	shalt  }
0x57: {  	_ =	shalt  }
0x58: {  	_ =	shalt  }
0x59: {  	_ =	shalt  }
0x5a: {  	_ =	shalt  }
0x5b: {  	_ =	shalt  }
0x5c: {  	_ =	shalt  }
0x5d: {  	_ =	shalt  }
0x5e: {  	_ =	shalt  }
0x5f: {  	_ =	shalt  }
0x60: {  	_ =	shalt  }
0x61: {  	_ =	shalt  }
0x62: {  	_ =	shalt  }
0x63: {  	_ =	shalt  }
0x64: {  	_ =	shalt  }
0x65: {  	_ =	shalt  }
0x66: {  	_ =	shalt  }
0x67: {  	_ =	shalt  }
0x68: {  	_ =	shalt  }
0x69: {  	_ =	shalt  }
0x6a: {  	_ =	shalt  }
0x6b: {  	_ =	shalt  }
0x6c: {  	_ =	shalt  }
0x6d: {  	_ =	shalt  }
0x6e: {  	_ =	shalt  }
0x6f: {  	_ =	shalt  }
0x70: {  	_ =	shalt  }
0x71: {  	_ =	shalt  }
0x72: {  	_ =	shalt  }
0x73: {  	_ =	shalt  }
0x74: {  	_ =	shalt  }
0x75: {  	_ =	shalt  }
0x76: {  	_ =	shalt  }
0x77: {  	_ =	shalt  }
0x78: {  	_ =	shalt  }
0x79: {  	_ =	shalt  }
0x7a: {  	_ =	shalt  }
0x7b: {  	_ =	shalt  }
0x7c: {  	_ =	shalt  }
0x7d: {  	_ =	shalt  }
0x7e: {  	_ =	shalt  }
0x7f: {  	_ =	shalt  }
0x80: {  	_ =	shalt  }
0x81: {  	_ =	shalt  }
0x82: {  	_ =	shalt  }
0x83: {  	_ =	shalt  }
0x84: {  	_ =	shalt  }
0x85: {  	_ =	shalt  }
0x86: {  	_ =	shalt  }
0x87: {  	_ =	shalt  }
.Lfunc_end0:
.L_simem_size_0:
called_computation_lowered:
.L_overlay_start_0:
0x88: {  	s2 =	sld [smem:$0x3FD9]  }
0x89: {  	s3 =	sld [smem:$0x3FFE];
	_ =	sdelay $0x1  }
0x8a: {  	s1 =	srdreg.scid  }
0x8b: {  	s0 =	sand.u32 $0x1, s1  }
0x8c: {  	s17 =	sshll.u32 s0, $0xA;
	s2 =	sadd.s32 s3, s2  }
0x8d: {  	s2 =	sadd.s32 s2, s17  }
0x8e: {  	[smem:$0x3FC2] =	sst s2  }
0x8f: {  	_ = 	snop  }
0x90: {  	s2 =	sld [smem:$0x3FC9]  }
0x91: {  	s18 =	sld [smem:$0x3FC8]  }
0x92: {  	s4 =	sld [smem:$0x3FC7];
	(tm) =	ssettm $0x1  }
0x93: {  	s5 =	sld [smem:$0x3FFB];
	_ =	sdelay $0x3  }
0x94: {  	_ =	strace s5  }
0x95: {  	s5 =	sld [smem:$0x3FFC];
	_ =	sdelay $0x3  }
0x96: {  	_ =	strace s5  }
0x97: {  	s5 =	sld [smem:$0x3FFD];
	_ =	sdelay $0x3  }
0x98: {  	_ =	strace s5  }
0x99: {  	_ =	strace $0x8FFFFFFF  }
0x9a: {  	s19 =	sld [smem:$0x3FDB];
	_ =	sdelay $0x1  }
0x9b: {  	s6 =	simm.s32 $_scs_section_size  }
0x9c: {  	s7 =	simm.s32 $_size__tile_overlayer_lowered;
	s8 =	simm.s32 $_tile_overlayer_lowered  }
0x9d: {  	s22 =	simm.s32 $0x1BFF;
	s21 =	sshll.u32 s8, $0x1;
	s5 =	sadd.s32 s6, s19  }
0x9e: {  	s9 =	simm.s32 $0x0;
	s20 =	sshll.u32 s7, $0x1;
	s7 =	sadd.s32 s21, s5  }
0x9f: {  	[timem:s9], [sflag:s22] =	dma.local [hbm:s7], s20  }
0xa0: {  	_ =	swait.ge [sflag:s22], s20  }
0xa1: {  	s6 =	ssub.s32 $0x0, s20;
	[sflag:s22] =	ssyncset.done $0x0  }
0xa2: {  	[sflag:s22] =	ssyncadd.s32 s6;
	_ =	sdelay $0x1  }
0xa3: {  	s23 =	simm.s32 $0x1B8B  }
0xa4: {  	_ =	swait.ge [sflag:s23], $0x1  }
0xa5: {  	[sflag:s23] =	ssyncset.done $0x0  }
0xa6: {  	s25 =	simm.s32 $0x1B8E;
	s24 =	sld [smem:$0x3FFE];
	[sflag:s23] =	ssyncadd.s32 $0xFFFFFFFF  }
0xa7: {  	s26 =	simm.s32 $execute0_lowered;
	[smem:$0x3FD2] =	sst s25  }
0xa8: {  	s7 =	sshll.u32 s26, $0x1;
	_ =	strace $0x80000046;
	[dreg:$0x1] =	wrdreg $0xFFFFFFFF  }
0xa9: {  	s28 =	simm.s32 $_size_execute0_lowered;
	s5 =	sadd.s32 s5, s7;
	[dreg:$0x0] =	wrdreg $0x0  }
0xaa: {  	s7 =	sshll.u32 s28, $0x1;
	[dreg:$0x2] =	wrdreg s5  }
0xab: {  	[dreg:$0x3] =	wrdreg s7  }
0xac: {  	[dreg:$0x4] =	wrdreg $0xC0  }
0xad: {  	_ =	task [dreg:s9], $0x5FFFF  }
0xae: {  	[dreg:$0x1] =	wrdreg $0xFFFFFFFF  }
0xaf: {  	[dreg:$0x0] =	wrdreg $0x60  }
0xb0: {  	[dreg:$0x2] =	wrdreg s2  }
0xb1: {  	[dreg:$0x3] =	wrdreg s18  }
0xb2: {  	[dreg:$0x4] =	wrdreg s4  }
0xb3: {  	[dreg:$0x5] =	wrdreg s24  }
0xb4: {  	[dreg:$0x6] =	wrdreg $0x9  }
0xb5: {  	_ =	task.clear_ibuf [dreg:s9], $0x7FFFF;
	_ =	strace $0x90000046  }
0xb6: {  	s29 =	simm.s32 $0x9;
	_ =	strace $0x80000048  }
0xb7: {  	_ =	swait.ge [sflag:s29], $0x1  }
0xb8: {  	[sflag:s29] =	ssyncadd.s32 $0xFFFFFFFF  }
0xb9: {  	_ =	strace $0x90000048  }
0xba: {  	_ =	sfence  }
0xbb: {  	s30 =	sld [smem:$0x0];
	_ =	sdelay $0x2  }
0xbc: {  	s31 =	sshll.u32 s1, $0xD;
	s1 =	sshrl.u32 s1, $0x2  }
0xbd: {  	s3 =	sand.u32 $0x4000, s31;
	s1 =	sadd.s32 s1, s30  }
0xbe: {  	s0 =	sor.u32 s3, s0;
	s1 =	sshll.u32 s1, $0x11  }
0xbf: {  	s0 =	sor.u32 s1, s0  }
0xc0: {  	s0 =	sadd.s32 $0x8F2B, s0  }
0xc1: {  	[sflag:s0] =	ssyncadd.remote.s32 $0x1  }
0xc2: {  	_ =	sfence.sel $0xFFFF  }
0xc3: {  	[dreg:$0x0] =	wrdreg $0xFFFFFFFF;
	(pc) =	sbr.abs _section_cstart, $3  }
0xc4: {  	[dreg:$0x1] =	wrdreg $0xFFFFFFFF  }
0xc5: {  	_ =	task.clear_ibuf [dreg:s9], $0x2FFFF;
	_ =	strace $0x9FFFFFFF  }
0xc6: {  	(tm) =	ssettm $0x7FFFFFFF  }
0xc7: {  	_ =	shalt  }
tec
execute0_lowered:
.L_overlay_start_1:
0x0: {  	(tag) =	ssettag $0x1  }
0x1: {  	s0 =	rddreg [dreg:$0x0]  }
0x2: {  	s1 =	rddreg [dreg:$0x1]  }
0x3: {  	s2 =	srdreg.scid;
	s3 =	rddreg [dreg:$0x2]  }
0x4: {  	s4 =	stileid.u32;
	s5 =	rddreg [dreg:$0x3];
	s7 =	simm.s32 $0x180  }
0x5: {  	s31 =	sand.u32 $0x1, s2;
	s9 =	sshll.u32 s4, $0xA;
	s4 =	simm.s32 $0x0  }
0x6: {  	s8 =	simm.s32 $0x1C0;
	s10 =	sshll.u32 s31, $0x9;
	[smem:$0x7FF] =	sst s4  }
0x7: {  	s2 =	sor.u32 s10, s9;
	_ =	strace $0x80000047;
	[dreg:$0x18] =	wrdreg s7  }
0x8: {  	[dreg:$0x19] =	wrdreg s8;
	s9 =	simm.s32 $0x240;
	s10 =	simm.s32 $0x280  }
0x9: {  	s6 =	sshrl.u32 s2, $0x2;
	s2 =	sshll.u32 s2, $0x4;
	[dreg:$0x1a] =	wrdreg s9  }
0xa: {  	[dreg:$0x1b] =	wrdreg s10;
	s11 =	sadd.s32 s2, s5;
	s2 =	simm.s32 $0xC0  }
0xb: {  	s5 =	simm.s32 $0x140;
	[dreg:$0x16] =	wrdreg s2  }
0xc: {  	s6 =	sadd.s32 s0, s6;
	[dreg:$0x17] =	wrdreg s5  }
0xd: {  	s12 =	sadd.s32 $0x10, s6;
	[smem:$0x7FC] =	sst s6  }
0xe: {  	s13 =	sadd.s32 $0x800, s11;
	[dreg:$0x5] =	wrdreg s12  }
0xf: {  	s14 =	sadd.s32 $0xC00, s11;
	[dreg:$0x6] =	wrdreg s13  }
0x10: {  	s15 =	sadd.s32 $0x1000, s11;
	[dreg:$0x7] =	wrdreg s14  }
0x11: {  	s16 =	sadd.s32 $0x1400, s11;
	[dreg:$0x8] =	wrdreg s15  }
0x12: {  	s17 =	sadd.s32 $0x1800, s11;
	[dreg:$0x9] =	wrdreg s16  }
0x13: {  	s18 =	sadd.s32 $0x1C00, s11;
	[dreg:$0xa] =	wrdreg s17  }
0x14: {  	s19 =	sadd.s32 $0x2000, s11;
	[dreg:$0xb] =	wrdreg s18  }
0x15: {  	s20 =	sadd.s32 $0x2400, s11;
	[dreg:$0xc] =	wrdreg s19  }
0x16: {  	s21 =	sadd.s32 $0x40800, s11;
	[dreg:$0xd] =	wrdreg s20  }
0x17: {  	s22 =	sadd.s32 $0x40C00, s11;
	[dreg:$0xe] =	wrdreg s21  }
0x18: {  	s23 =	sadd.s32 $0x41000, s11;
	[dreg:$0xf] =	wrdreg s22  }
0x19: {  	s24 =	sadd.s32 $0x41400, s11;
	[dreg:$0x10] =	wrdreg s23  }
0x1a: {  	s25 =	sadd.s32 $0x41800, s11;
	[dreg:$0x11] =	wrdreg s24  }
0x1b: {  	s26 =	sadd.s32 $0x41C00, s11;
	[dreg:$0x12] =	wrdreg s25  }
0x1c: {  	s28 =	sadd.s32 $0x42000, s11;
	[dreg:$0x13] =	wrdreg s26  }
0x1d: {  	s0 =	sadd.s32 $0x42400, s11;
	[dreg:$0x14] =	wrdreg s28  }
0x1e: {  	s11 =	simm.s32 $0x2C0;
	[dreg:$0x15] =	wrdreg s0  }
0x1f: {  	[dreg:$0x1c] =	wrdreg s11;
	s12 =	simm.s32 $0x300  }
0x20: {  	s13 =	simm.s32 $0x340;
	[dreg:$0x1d] =	wrdreg s12  }
0x21: {  	s14 =	simm.s32 $0x380;
	[dreg:$0x1e] =	wrdreg s13  }
0x22: {  	s8 =	simm.s32 $0x19;
	s16 =	simm.s32 $0x3C0;
	[dreg:$0x1f] =	wrdreg s14  }
0x23: {  	s15 =	simm.s32 $0x80;
	s17 =	simm.s32 $0x100;
	[smem:$0x7FD] =	sst s16  }
0x24: {  	[tilespmem:s4], [sflag:$0x19] =	stream.strided.gather [hbm4b:s6+s15], $0x200, s17, s15, $0x38;
	[tilespmem:$0x18400] =	vst v63  }
0x25: {  	_ =	swait.ge [sflag:s8], $0x200  }
0x26: {  	[sflag:s8] =	ssyncset.done $0x0  }
0x27: {  	s19 =	simm.s32 $0x200;
	s18 =	rddreg [dreg:$0x5];
	[sflag:s8] =	ssyncadd.s32 $0xFFFFFE00  }
0x28: {  	[tilespmem:s19], [sflag:$0x19] =	stream.strided.gather [hbm4b:s18+s15], $0x200, s17, s15, $0x38;
	[tilespmem:$0x18400] =	vst v63  }
0x29: {  	_ =	swait.ge [sflag:s8], $0x200  }
0x2a: {  	[sflag:s8] =	ssyncset.done $0x0  }
0x2b: {  	s10 =	simm.s32 $0x40;
	s11 =	simm.s32 $0x400;
	[sflag:s8] =	ssyncadd.s32 $0xFFFFFE00  }
0x2c: {  	[tilespmem:s11], [sflag:$0x1] =	stream.indirect.gather [hbm4b:s1+s10], $0x80, s4, s10, $0xb8;
	[tilespmem:$0x18400] =	vst v63  }
0x2d: {  	s12 =	simm.s32 $0x2400  }
0x2e: {  	[tilespmem:s12], [sflag:$0x2] =	stream.indirect.gather [hbm4b:s1+s10], $0x80, s10, s10, $0xb8;
	[tilespmem:$0x18400] =	vst v63  }
0x2f: {  	s13 =	simm.s32 $0x4400  }
0x30: {  	[tilespmem:s13], [sflag:$0x3] =	stream.indirect.gather [hbm4b:s1+s10], $0x80, s15, s10, $0xb8;
	[tilespmem:$0x18400] =	vst v63  }
0x31: {  	s14 =	simm.s32 $0x6400;
	s20 =	rddreg [dreg:$0x16]  }
0x32: {  	[tilespmem:s14], [sflag:$0x4] =	stream.indirect.gather [hbm4b:s1+s10], $0x80, s20, s10, $0xb8;
	[tilespmem:$0x18400] =	vst v63  }
0x33: {  	s7 =	simm.s32 $0x8400  }
0x34: {  	[tilespmem:s7], [sflag:$0x5] =	stream.indirect.gather [hbm4b:s1+s10], $0x80, s17, s10, $0xb8;
	[tilespmem:$0x18400] =	vst v63  }
0x35: {  	s5 =	simm.s32 $0xA400;
	s21 =	rddreg [dreg:$0x17]  }
0x36: {  	[tilespmem:s5], [sflag:$0x6] =	stream.indirect.gather [hbm4b:s1+s10], $0x80, s21, s10, $0xb8;
	[tilespmem:$0x18400] =	vst v63  }
0x37: {  	s9 =	simm.s32 $0xC400;
	s18 =	simm.s32 $0x1;
	s22 =	rddreg [dreg:$0x18]  }
0x38: {  	[tilespmem:s9], [sflag:$0x7] =	stream.indirect.gather [hbm4b:s1+s10], $0x80, s22, s10, $0xb8;
	[tilespmem:$0x18400] =	vst v63  }
0x39: {  	_ =	swait.ge [sflag:s18], $0x2000  }
0x3a: {  	[sflag:s18] =	ssyncset.done $0x0  }
0x3b: {  	s23 =	rddreg [dreg:$0x6];
	[sflag:s18] =	ssyncadd.s32 $0xFFFFE000  }
0x3c: {  	[hbm4b:s23+s4] =	stream.linear.scatter [tilespmem:s11], [sflag:$0xD], $0x2000, $0x38;
	[tilespmem:$0x18400] =	vst v63  }
0x3d: {  	s15 =	simm.s32 $0xE400;
	s20 =	simm.s32 $0x2;
	s24 =	rddreg [dreg:$0x19]  }
0x3e: {  	[tilespmem:s15], [sflag:$0x8] =	stream.indirect.gather [hbm4b:s1+s10], $0x80, s24, s10, $0xb8;
	[tilespmem:$0x18400] =	vst v63  }
0x3f: {  	_ =	swait.ge [sflag:s20], $0x2000  }
0x40: {  	[sflag:s20] =	ssyncset.done $0x0  }
0x41: {  	s25 =	rddreg [dreg:$0x7];
	[sflag:s20] =	ssyncadd.s32 $0xFFFFE000  }
0x42: {  	[hbm4b:s25+s4] =	stream.linear.scatter [tilespmem:s12], [sflag:$0xE], $0x2000, $0x38;
	[tilespmem:$0x18400] =	vst v63  }
0x43: {  	s16 =	simm.s32 $0x10400;
	s22 =	simm.s32 $0x3  }
0x44: {  	[tilespmem:s16], [sflag:$0x9] =	stream.indirect.gather [hbm4b:s3+s10], $0x80, s19, s10, $0xb8;
	[tilespmem:$0x18400] =	vst v63  }
0x45: {  	_ =	swait.ge [sflag:s22], $0x2000  }
0x46: {  	[sflag:s22] =	ssyncset.done $0x0  }
0x47: {  	s26 =	rddreg [dreg:$0x8];
	[sflag:s22] =	ssyncadd.s32 $0xFFFFE000  }
0x48: {  	[hbm4b:s26+s4] =	stream.linear.scatter [tilespmem:s13], [sflag:$0xF], $0x2000, $0x38;
	[tilespmem:$0x18400] =	vst v63  }
0x49: {  	s17 =	simm.s32 $0x12400;
	s24 =	simm.s32 $0x4;
	s28 =	rddreg [dreg:$0x1a]  }
0x4a: {  	[tilespmem:s17], [sflag:$0xA] =	stream.indirect.gather [hbm4b:s3+s10], $0x80, s28, s10, $0xb8;
	[tilespmem:$0x18400] =	vst v63  }
0x4b: {  	_ =	swait.ge [sflag:s24], $0x2000  }
0x4c: {  	[sflag:s24] =	ssyncset.done $0x0  }
0x4d: {  	s2 =	rddreg [dreg:$0x9];
	[sflag:s24] =	ssyncadd.s32 $0xFFFFE000  }
0x4e: {  	[hbm4b:s2+s4] =	stream.linear.scatter [tilespmem:s14], [sflag:$0x10], $0x2000, $0x38;
	[tilespmem:$0x18400] =	vst v63  }
0x4f: {  	s21 =	simm.s32 $0x5;
	s19 =	simm.s32 $0x14400;
	s6 =	rddreg [dreg:$0x1b]  }
0x50: {  	[tilespmem:s19], [sflag:$0xB] =	stream.indirect.gather [hbm4b:s3+s10], $0x80, s6, s10, $0xb8;
	[tilespmem:$0x18400] =	vst v63  }
0x51: {  	_ =	swait.ge [sflag:s21], $0x2000  }
0x52: {  	[sflag:s21] =	ssyncset.done $0x0  }
0x53: {  	s23 =	rddreg [dreg:$0xa];
	[sflag:s21] =	ssyncadd.s32 $0xFFFFE000  }
0x54: {  	[hbm4b:s23+s4] =	stream.linear.scatter [tilespmem:s7], [sflag:$0x11], $0x2000, $0x38;
	[tilespmem:$0x18400] =	vst v63  }
0x55: {  	s26 =	simm.s32 $0x6;
	s25 =	rddreg [dreg:$0x1c];
	s7 =	simm.s32 $0x16400  }
0x56: {  	[tilespmem:s7], [sflag:$0xC] =	stream.indirect.gather [hbm4b:s3+s10], $0x80, s25, s10, $0xb8;
	[tilespmem:$0x18400] =	vst v63  }
0x57: {  	_ =	swait.ge [sflag:s26], $0x2000  }
0x58: {  	[sflag:s26] =	ssyncset.done $0x0  }
0x59: {  	s30 =	simm.s32 $0xD;
	s28 =	rddreg [dreg:$0xb];
	[sflag:s26] =	ssyncadd.s32 $0xFFFFE000  }
0x5a: {  	[hbm4b:s28+s4] =	stream.linear.scatter [tilespmem:s5], [sflag:$0x12], $0x2000, $0x38;
	[tilespmem:$0x18400] =	vst v63  }
0x5b: {  	_ =	swait.ge [sflag:s30], $0x2000  }
0x5c: {  	[sflag:s30] =	ssyncset.done $0x0  }
0x5d: {  	s5 =	simm.s32 $0x7;
	s2 =	rddreg [dreg:$0x1d];
	[sflag:s30] =	ssyncadd.s32 $0xFFFFE000  }
0x5e: {  	[tilespmem:s11], [sflag:$0x1] =	stream.indirect.gather [hbm4b:s3+s10], $0x80, s2, s10, $0xb8;
	[tilespmem:$0x18400] =	vst v63  }
0x5f: {  	_ =	swait.ge [sflag:s5], $0x2000  }
0x60: {  	[sflag:s5] =	ssyncset.done $0x0  }
0x61: {  	s2 =	simm.s32 $0xE;
	s6 =	rddreg [dreg:$0xc];
	[sflag:s5] =	ssyncadd.s32 $0xFFFFE000  }
0x62: {  	[hbm4b:s6+s4] =	stream.linear.scatter [tilespmem:s9], [sflag:$0x13], $0x2000, $0x38;
	[tilespmem:$0x18400] =	vst v63  }
0x63: {  	_ =	swait.ge [sflag:s2], $0x2000  }
0x64: {  	[sflag:s2] =	ssyncset.done $0x0  }
0x65: {  	s21 =	simm.s32 $0x8;
	s9 =	rddreg [dreg:$0x1e];
	[sflag:s2] =	ssyncadd.s32 $0xFFFFE000  }
0x66: {  	[tilespmem:s12], [sflag:$0x2] =	stream.indirect.gather [hbm4b:s3+s10], $0x80, s9, s10, $0xb8;
	[tilespmem:$0x18400] =	vst v63  }
0x67: {  	_ =	swait.ge [sflag:s21], $0x2000  }
0x68: {  	[sflag:s21] =	ssyncset.done $0x0  }
0x69: {  	s5 =	simm.s32 $0xF;
	s23 =	rddreg [dreg:$0xd];
	[sflag:s21] =	ssyncadd.s32 $0xFFFFE000  }
0x6a: {  	[hbm4b:s23+s4] =	stream.linear.scatter [tilespmem:s15], [sflag:$0x14], $0x2000, $0x38;
	[tilespmem:$0x18400] =	vst v63  }
0x6b: {  	_ =	swait.ge [sflag:s5], $0x2000  }
0x6c: {  	[sflag:s5] =	ssyncset.done $0x0  }
0x6d: {  	s26 =	simm.s32 $0x9;
	s25 =	rddreg [dreg:$0x1f];
	[sflag:s5] =	ssyncadd.s32 $0xFFFFE000  }
0x6e: {  	[tilespmem:s13], [sflag:$0x3] =	stream.indirect.gather [hbm4b:s3+s10], $0x80, s25, s10, $0xb8;
	[tilespmem:$0x18400] =	vst v63  }
0x6f: {  	_ =	swait.ge [sflag:s26], $0x2000  }
0x70: {  	[sflag:s26] =	ssyncset.done $0x0  }
0x71: {  	s15 =	simm.s32 $0x10;
	s28 =	rddreg [dreg:$0xe];
	[sflag:s26] =	ssyncadd.s32 $0xFFFFE000  }
0x72: {  	[hbm4b:s28+s4] =	stream.linear.scatter [tilespmem:s16], [sflag:$0x15], $0x2000, $0x38;
	[tilespmem:$0x18400] =	vst v63  }
0x73: {  	_ =	swait.ge [sflag:s15], $0x2000  }
0x74: {  	s9 =	sld [smem:$0x7FD]  }
0x75: {  	[sflag:s15] =	ssyncset.done $0x0  }
0x76: {  	s16 =	simm.s32 $0xA;
	[sflag:s15] =	ssyncadd.s32 $0xFFFFE000  }
0x77: {  	[tilespmem:s14], [sflag:$0x4] =	stream.indirect.gather [hbm4b:s3+s10], $0x80, s9, s10, $0xb8;
	[tilespmem:$0x18400] =	vst v63  }
0x78: {  	_ =	swait.ge [sflag:s16], $0x2000  }
0x79: {  	[sflag:s16] =	ssyncset.done $0x0  }
0x7a: {  	s23 =	simm.s32 $0xB;
	s21 =	rddreg [dreg:$0xf];
	[sflag:s16] =	ssyncadd.s32 $0xFFFFE000  }
0x7b: {  	[hbm4b:s21+s4] =	stream.linear.scatter [tilespmem:s17], [sflag:$0x16], $0x2000, $0x38;
	[tilespmem:$0x18400] =	vst v63  }
0x7c: {  	_ =	swait.ge [sflag:s23], $0x2000  }
0x7d: {  	[sflag:s23] =	ssyncset.done $0x0  }
0x7e: {  	s26 =	simm.s32 $0xC;
	s25 =	rddreg [dreg:$0x10];
	[sflag:s23] =	ssyncadd.s32 $0xFFFFE000  }
0x7f: {  	[hbm4b:s25+s4] =	stream.linear.scatter [tilespmem:s19], [sflag:$0x17], $0x2000, $0x38;
	[tilespmem:$0x18400] =	vst v63  }
0x80: {  	_ =	swait.ge [sflag:s26], $0x2000  }
0x81: {  	[sflag:s26] =	ssyncset.done $0x0  }
0x82: {  	s28 =	rddreg [dreg:$0x11];
	[sflag:s26] =	ssyncadd.s32 $0xFFFFE000  }
0x83: {  	[hbm4b:s28+s4] =	stream.linear.scatter [tilespmem:s7], [sflag:$0x18], $0x2000, $0x38;
	[tilespmem:$0x18400] =	vst v63  }
0x84: {  	_ =	swait.ge [sflag:s18], $0x2000  }
0x85: {  	[sflag:s18] =	ssyncset.done $0x0  }
0x86: {  	s9 =	rddreg [dreg:$0x12];
	[sflag:s18] =	ssyncadd.s32 $0xFFFFE000  }
0x87: {  	[hbm4b:s9+s4] =	stream.linear.scatter [tilespmem:s11], [sflag:$0xD], $0x2000, $0x38;
	[tilespmem:$0x18400] =	vst v63  }
0x88: {  	_ =	swait.ge [sflag:s20], $0x2000  }
0x89: {  	[sflag:s20] =	ssyncset.done $0x0  }
0x8a: {  	s16 =	rddreg [dreg:$0x13];
	[sflag:s20] =	ssyncadd.s32 $0xFFFFE000  }
0x8b: {  	[hbm4b:s16+s4] =	stream.linear.scatter [tilespmem:s12], [sflag:$0xE], $0x2000, $0x38;
	[tilespmem:$0x18400] =	vst v63  }
0x8c: {  	_ =	swait.ge [sflag:s22], $0x2000  }
0x8d: {  	[sflag:s22] =	ssyncset.done $0x0  }
0x8e: {  	s17 =	rddreg [dreg:$0x14];
	[sflag:s22] =	ssyncadd.s32 $0xFFFFE000  }
0x8f: {  	[hbm4b:s17+s4] =	stream.linear.scatter [tilespmem:s13], [sflag:$0xF], $0x2000, $0x38;
	[tilespmem:$0x18400] =	vst v63  }
0x90: {  	_ =	swait.ge [sflag:s24], $0x2000  }
0x91: {  	[sflag:s24] =	ssyncset.done $0x0  }
0x92: {  	s21 =	simm.s32 $0x11;
	s19 =	rddreg [dreg:$0x15];
	[sflag:s24] =	ssyncadd.s32 $0xFFFFE000  }
0x93: {  	[hbm4b:s19+s4] =	stream.linear.scatter [tilespmem:s14], [sflag:$0x10], $0x2000, $0x38;
	[tilespmem:$0x18400] =	vst v63  }
0x94: {  	_ =	swait.ge [sflag:s21], $0x2000  }
0x95: {  	[sflag:s21] =	ssyncset.done $0x0  }
0x96: {  	s23 =	simm.s32 $0x12;
	[sflag:s21] =	ssyncadd.s32 $0xFFFFE000  }
0x97: {  	_ =	swait.ge [sflag:s23], $0x2000  }
0x98: {  	[sflag:s23] =	ssyncset.done $0x0  }
0x99: {  	s25 =	simm.s32 $0x13;
	[sflag:s23] =	ssyncadd.s32 $0xFFFFE000  }
0x9a: {  	_ =	swait.ge [sflag:s25], $0x2000  }
0x9b: {  	[sflag:s25] =	ssyncset.done $0x0  }
0x9c: {  	s26 =	simm.s32 $0x14;
	[sflag:s25] =	ssyncadd.s32 $0xFFFFE000  }
0x9d: {  	_ =	swait.ge [sflag:s26], $0x2000  }
0x9e: {  	[sflag:s26] =	ssyncset.done $0x0  }
0x9f: {  	s6 =	simm.s32 $0x15;
	[sflag:s26] =	ssyncadd.s32 $0xFFFFE000  }
0xa0: {  	_ =	swait.ge [sflag:s6], $0x2000  }
0xa1: {  	[sflag:s6] =	ssyncset.done $0x0  }
0xa2: {  	s7 =	simm.s32 $0x16;
	[sflag:s6] =	ssyncadd.s32 $0xFFFFE000  }
0xa3: {  	_ =	swait.ge [sflag:s7], $0x2000  }
0xa4: {  	[sflag:s7] =	ssyncset.done $0x0  }
0xa5: {  	s26 =	simm.s32 $0x17;
	[sflag:s7] =	ssyncadd.s32 $0xFFFFE000  }
0xa6: {  	_ =	swait.ge [sflag:s26], $0x2000  }
0xa7: {  	[sflag:s26] =	ssyncset.done $0x0  }
0xa8: {  	s29 =	simm.s32 $0x18;
	[sflag:s26] =	ssyncadd.s32 $0xFFFFE000  }
0xa9: {  	_ =	swait.ge [sflag:s29], $0x2000  }
0xaa: {  	[sflag:s29] =	ssyncset.done $0x0  }
0xab: {  	[sflag:s29] =	ssyncadd.s32 $0xFFFFE000  }
0xac: {  	_ =	swait.ge [sflag:s30], $0x2000  }
0xad: {  	s28 =	ssub.s32 $0x2, s31;
	[sflag:s30] =	ssyncset.done $0x0  }
0xae: {  	s31 =	sshrl.u32 s28, $0x1;
	[sflag:s30] =	ssyncadd.s32 $0xFFFFE000  }
0xaf: {  	s31 =	ssub.s32 s28, s31;
	_ =	swait.ge [sflag:s2], $0x2000  }
0xb0: {  	s31 =	smax.u32 s31, $0x1;
	[sflag:s2] =	ssyncset.done $0x0  }
0xb1: {  	p0 =	sne.s32 s31, $0x1;
	[sflag:s2] =	ssyncadd.s32 $0xFFFFE000  }
.Ltmp0:
0xb2: {  	_ =	swait.ge [sflag:s5], $0x2000;
	(pc) =	sbr.rel @!p0 .LBB2_3-.Ltmp0, $4  }
0xb3: {  	[sflag:s5] =	ssyncset.done $0x0  }
0xb4: {  	[sflag:s5] =	ssyncadd.s32 $0xFFFFE000  }
0xb5: {  	_ =	swait.ge [sflag:s15], $0x2000  }
0xb6: {  	s31 =	sadd.s32 $0xFFFFFFFF, s31;
	[sflag:s15] =	ssyncset.done $0x0  }
0xb7: {  	s12 =	simm.s32 $0x400;
	s13 =	simm.s32 $0x2400  }
0xb8: {  	s14 =	simm.s32 $0x4400;
	s21 =	simm.s32 $0x6400;
	s11 =	simm.s32 $0xC400  }
0xb9: {  	s23 =	simm.s32 $0xE400;
	s25 =	simm.s32 $0x10400;
	s28 =	simm.s32 $0x14400  }
.LBB2_2:
0xba: {  	s0 =	sld [smem:$0x7FC];
	_ =	sdelay $0x1  }
0xbb: {  	[sflag:s15] =	ssyncadd.s32 $0xFFFFE000;
	s9 =	simm.s32 $0x80;
	s16 =	simm.s32 $0x100  }
0xbc: {  	[tilespmem:s4], [sflag:$0x19] =	stream.strided.gather [hbm4b:s0+s9], $0x200, s16, s9, $0x38;
	[tilespmem:$0x18400] =	vst v63  }
0xbd: {  	_ =	swait.ge [sflag:s8], $0x200  }
0xbe: {  	[sflag:s8] =	ssyncset.done $0x0  }
0xbf: {  	s17 =	simm.s32 $0x200;
	s19 =	rddreg [dreg:$0x5];
	[sflag:s8] =	ssyncadd.s32 $0xFFFFFE00  }
0xc0: {  	[tilespmem:s17], [sflag:$0x19] =	stream.strided.gather [hbm4b:s19+s9], $0x200, s16, s9, $0x38;
	[tilespmem:$0x18400] =	vst v63  }
0xc1: {  	_ =	swait.ge [sflag:s8], $0x200  }
0xc2: {  	[sflag:s8] =	ssyncset.done $0x0  }
0xc3: {  	[sflag:s8] =	ssyncadd.s32 $0xFFFFFE00  }
0xc4: {  	[tilespmem:s12], [sflag:$0x1] =	stream.indirect.gather [hbm4b:s1+s10], $0x80, s4, s10, $0xb8;
	[tilespmem:$0x18400] =	vst v63  }
0xc5: {  	_ = 	snop  }
0xc6: {  	[tilespmem:s13], [sflag:$0x2] =	stream.indirect.gather [hbm4b:s1+s10], $0x80, s10, s10, $0xb8;
	[tilespmem:$0x18400] =	vst v63  }
0xc7: {  	_ = 	snop  }
0xc8: {  	[tilespmem:s14], [sflag:$0x3] =	stream.indirect.gather [hbm4b:s1+s10], $0x80, s9, s10, $0xb8;
	[tilespmem:$0x18400] =	vst v63  }
0xc9: {  	s19 =	rddreg [dreg:$0x16]  }
0xca: {  	[tilespmem:s21], [sflag:$0x4] =	stream.indirect.gather [hbm4b:s1+s10], $0x80, s19, s10, $0xb8;
	[tilespmem:$0x18400] =	vst v63  }
0xcb: {  	s19 =	simm.s32 $0x8400  }
0xcc: {  	[tilespmem:s19], [sflag:$0x5] =	stream.indirect.gather [hbm4b:s1+s10], $0x80, s16, s10, $0xb8;
	[tilespmem:$0x18400] =	vst v63  }
0xcd: {  	s0 =	rddreg [dreg:$0x17];
	s16 =	simm.s32 $0xA400  }
0xce: {  	[tilespmem:s16], [sflag:$0x6] =	stream.indirect.gather [hbm4b:s1+s10], $0x80, s0, s10, $0xb8;
	[tilespmem:$0x18400] =	vst v63  }
0xcf: {  	s9 =	rddreg [dreg:$0x18]  }
0xd0: {  	[tilespmem:s11], [sflag:$0x7] =	stream.indirect.gather [hbm4b:s1+s10], $0x80, s9, s10, $0xb8;
	[tilespmem:$0x18400] =	vst v63  }
0xd1: {  	_ =	swait.ge [sflag:s18], $0x2000  }
0xd2: {  	[sflag:s18] =	ssyncset.done $0x0  }
0xd3: {  	s0 =	rddreg [dreg:$0x6];
	[sflag:s18] =	ssyncadd.s32 $0xFFFFE000  }
0xd4: {  	[hbm4b:s0+s4] =	stream.linear.scatter [tilespmem:s12], [sflag:$0xD], $0x2000, $0x38;
	[tilespmem:$0x18400] =	vst v63  }
0xd5: {  	s9 =	rddreg [dreg:$0x19]  }
0xd6: {  	[tilespmem:s23], [sflag:$0x8] =	stream.indirect.gather [hbm4b:s1+s10], $0x80, s9, s10, $0xb8;
	[tilespmem:$0x18400] =	vst v63  }
0xd7: {  	_ =	swait.ge [sflag:s20], $0x2000  }
0xd8: {  	[sflag:s20] =	ssyncset.done $0x0  }
0xd9: {  	s9 =	rddreg [dreg:$0x7];
	[sflag:s20] =	ssyncadd.s32 $0xFFFFE000  }
0xda: {  	[hbm4b:s9+s4] =	stream.linear.scatter [tilespmem:s13], [sflag:$0xE], $0x2000, $0x38;
	[tilespmem:$0x18400] =	vst v63  }
0xdb: {  	_ = 	snop  }
0xdc: {  	[tilespmem:s25], [sflag:$0x9] =	stream.indirect.gather [hbm4b:s3+s10], $0x80, s17, s10, $0xb8;
	[tilespmem:$0x18400] =	vst v63  }
0xdd: {  	_ =	swait.ge [sflag:s22], $0x2000  }
0xde: {  	[sflag:s22] =	ssyncset.done $0x0  }
0xdf: {  	s17 =	rddreg [dreg:$0x8];
	[sflag:s22] =	ssyncadd.s32 $0xFFFFE000  }
0xe0: {  	[hbm4b:s17+s4] =	stream.linear.scatter [tilespmem:s14], [sflag:$0xF], $0x2000, $0x38;
	[tilespmem:$0x18400] =	vst v63  }
0xe1: {  	s9 =	rddreg [dreg:$0x1a];
	s17 =	simm.s32 $0x12400  }
0xe2: {  	[tilespmem:s17], [sflag:$0xA] =	stream.indirect.gather [hbm4b:s3+s10], $0x80, s9, s10, $0xb8;
	[tilespmem:$0x18400] =	vst v63  }
0xe3: {  	_ =	swait.ge [sflag:s24], $0x2000  }
0xe4: {  	[sflag:s24] =	ssyncset.done $0x0  }
0xe5: {  	s0 =	rddreg [dreg:$0x9];
	[sflag:s24] =	ssyncadd.s32 $0xFFFFE000  }
0xe6: {  	[hbm4b:s0+s4] =	stream.linear.scatter [tilespmem:s21], [sflag:$0x10], $0x2000, $0x38;
	[tilespmem:$0x18400] =	vst v63  }
0xe7: {  	s9 =	rddreg [dreg:$0x1b]  }
0xe8: {  	[tilespmem:s28], [sflag:$0xB] =	stream.indirect.gather [hbm4b:s3+s10], $0x80, s9, s10, $0xb8;
	[tilespmem:$0x18400] =	vst v63  }
0xe9: {  	s9 =	simm.s32 $0x5  }
0xea: {  	_ =	swait.ge [sflag:s9], $0x2000  }
0xeb: {  	[sflag:s9] =	ssyncset.done $0x0  }
0xec: {  	s0 =	rddreg [dreg:$0xa];
	[sflag:s9] =	ssyncadd.s32 $0xFFFFE000  }
0xed: {  	[hbm4b:s0+s4] =	stream.linear.scatter [tilespmem:s19], [sflag:$0x11], $0x2000, $0x38;
	[tilespmem:$0x18400] =	vst v63  }
0xee: {  	s9 =	rddreg [dreg:$0x1c];
	s19 =	simm.s32 $0x16400  }
0xef: {  	[tilespmem:s19], [sflag:$0xC] =	stream.indirect.gather [hbm4b:s3+s10], $0x80, s9, s10, $0xb8;
	[tilespmem:$0x18400] =	vst v63  }
0xf0: {  	s9 =	simm.s32 $0x6  }
0xf1: {  	_ =	swait.ge [sflag:s9], $0x2000  }
0xf2: {  	[sflag:s9] =	ssyncset.done $0x0  }
0xf3: {  	s0 =	rddreg [dreg:$0xb];
	[sflag:s9] =	ssyncadd.s32 $0xFFFFE000  }
0xf4: {  	[hbm4b:s0+s4] =	stream.linear.scatter [tilespmem:s16], [sflag:$0x12], $0x2000, $0x38;
	[tilespmem:$0x18400] =	vst v63  }
0xf5: {  	_ =	swait.ge [sflag:s30], $0x2000  }
0xf6: {  	[sflag:s30] =	ssyncset.done $0x0  }
0xf7: {  	s0 =	simm.s32 $0x7;
	s16 =	rddreg [dreg:$0x1d];
	[sflag:s30] =	ssyncadd.s32 $0xFFFFE000  }
0xf8: {  	[tilespmem:s12], [sflag:$0x1] =	stream.indirect.gather [hbm4b:s3+s10], $0x80, s16, s10, $0xb8;
	[tilespmem:$0x18400] =	vst v63  }
0xf9: {  	_ =	swait.ge [sflag:s0], $0x2000  }
0xfa: {  	[sflag:s0] =	ssyncset.done $0x0  }
0xfb: {  	s16 =	rddreg [dreg:$0xc];
	[sflag:s0] =	ssyncadd.s32 $0xFFFFE000  }
0xfc: {  	[hbm4b:s16+s4] =	stream.linear.scatter [tilespmem:s11], [sflag:$0x13], $0x2000, $0x38;
	[tilespmem:$0x18400] =	vst v63  }
0xfd: {  	_ =	swait.ge [sflag:s2], $0x2000  }
0xfe: {  	[sflag:s2] =	ssyncset.done $0x0  }
0xff: {  	s0 =	simm.s32 $0x8;
	s16 =	rddreg [dreg:$0x1e];
	[sflag:s2] =	ssyncadd.s32 $0xFFFFE000  }
0x100: {  	[tilespmem:s13], [sflag:$0x2] =	stream.indirect.gather [hbm4b:s3+s10], $0x80, s16, s10, $0xb8;
	[tilespmem:$0x18400] =	vst v63  }
0x101: {  	_ =	swait.ge [sflag:s0], $0x2000  }
0x102: {  	[sflag:s0] =	ssyncset.done $0x0  }
0x103: {  	s16 =	rddreg [dreg:$0xd];
	[sflag:s0] =	ssyncadd.s32 $0xFFFFE000  }
0x104: {  	[hbm4b:s16+s4] =	stream.linear.scatter [tilespmem:s23], [sflag:$0x14], $0x2000, $0x38;
	[tilespmem:$0x18400] =	vst v63  }
0x105: {  	_ =	swait.ge [sflag:s5], $0x2000  }
0x106: {  	[sflag:s5] =	ssyncset.done $0x0  }
0x107: {  	s0 =	simm.s32 $0x9;
	s16 =	rddreg [dreg:$0x1f];
	[sflag:s5] =	ssyncadd.s32 $0xFFFFE000  }
0x108: {  	[tilespmem:s14], [sflag:$0x3] =	stream.indirect.gather [hbm4b:s3+s10], $0x80, s16, s10, $0xb8;
	[tilespmem:$0x18400] =	vst v63  }
0x109: {  	_ =	swait.ge [sflag:s0], $0x2000  }
0x10a: {  	[sflag:s0] =	ssyncset.done $0x0  }
0x10b: {  	s16 =	rddreg [dreg:$0xe];
	[sflag:s0] =	ssyncadd.s32 $0xFFFFE000  }
0x10c: {  	[hbm4b:s16+s4] =	stream.linear.scatter [tilespmem:s25], [sflag:$0x15], $0x2000, $0x38;
	[tilespmem:$0x18400] =	vst v63  }
0x10d: {  	_ =	swait.ge [sflag:s15], $0x2000  }
0x10e: {  	s16 =	sld [smem:$0x7FD]  }
0x10f: {  	[sflag:s15] =	ssyncset.done $0x0  }
0x110: {  	s0 =	simm.s32 $0xA;
	[sflag:s15] =	ssyncadd.s32 $0xFFFFE000  }
0x111: {  	[tilespmem:s21], [sflag:$0x4] =	stream.indirect.gather [hbm4b:s3+s10], $0x80, s16, s10, $0xb8;
	[tilespmem:$0x18400] =	vst v63  }
0x112: {  	_ =	swait.ge [sflag:s0], $0x2000  }
0x113: {  	[sflag:s0] =	ssyncset.done $0x0  }
0x114: {  	s16 =	rddreg [dreg:$0xf];
	[sflag:s0] =	ssyncadd.s32 $0xFFFFE000  }
0x115: {  	[hbm4b:s16+s4] =	stream.linear.scatter [tilespmem:s17], [sflag:$0x16], $0x2000, $0x38;
	[tilespmem:$0x18400] =	vst v63  }
0x116: {  	s16 =	simm.s32 $0xB  }
0x117: {  	_ =	swait.ge [sflag:s16], $0x2000  }
0x118: {  	[sflag:s16] =	ssyncset.done $0x0  }
0x119: {  	s17 =	rddreg [dreg:$0x10];
	[sflag:s16] =	ssyncadd.s32 $0xFFFFE000;
	s16 =	simm.s32 $0xC  }
0x11a: {  	[hbm4b:s17+s4] =	stream.linear.scatter [tilespmem:s28], [sflag:$0x17], $0x2000, $0x38;
	[tilespmem:$0x18400] =	vst v63  }
0x11b: {  	_ =	swait.ge [sflag:s16], $0x2000  }
0x11c: {  	[sflag:s16] =	ssyncset.done $0x0  }
0x11d: {  	s17 =	rddreg [dreg:$0x11];
	[sflag:s16] =	ssyncadd.s32 $0xFFFFE000  }
0x11e: {  	[hbm4b:s17+s4] =	stream.linear.scatter [tilespmem:s19], [sflag:$0x18], $0x2000, $0x38;
	[tilespmem:$0x18400] =	vst v63  }
0x11f: {  	_ =	swait.ge [sflag:s18], $0x2000  }
0x120: {  	[sflag:s18] =	ssyncset.done $0x0  }
0x121: {  	s9 =	rddreg [dreg:$0x12];
	[sflag:s18] =	ssyncadd.s32 $0xFFFFE000  }
0x122: {  	[hbm4b:s9+s4] =	stream.linear.scatter [tilespmem:s12], [sflag:$0xD], $0x2000, $0x38;
	[tilespmem:$0x18400] =	vst v63  }
0x123: {  	_ =	swait.ge [sflag:s20], $0x2000  }
0x124: {  	[sflag:s20] =	ssyncset.done $0x0  }
0x125: {  	s16 =	rddreg [dreg:$0x13];
	[sflag:s20] =	ssyncadd.s32 $0xFFFFE000  }
0x126: {  	[hbm4b:s16+s4] =	stream.linear.scatter [tilespmem:s13], [sflag:$0xE], $0x2000, $0x38;
	[tilespmem:$0x18400] =	vst v63  }
0x127: {  	_ =	swait.ge [sflag:s22], $0x2000  }
0x128: {  	[sflag:s22] =	ssyncset.done $0x0  }
0x129: {  	s17 =	rddreg [dreg:$0x14];
	[sflag:s22] =	ssyncadd.s32 $0xFFFFE000  }
0x12a: {  	[hbm4b:s17+s4] =	stream.linear.scatter [tilespmem:s14], [sflag:$0xF], $0x2000, $0x38;
	[tilespmem:$0x18400] =	vst v63  }
0x12b: {  	_ =	swait.ge [sflag:s24], $0x2000  }
0x12c: {  	[sflag:s24] =	ssyncset.done $0x0  }
0x12d: {  	s9 =	simm.s32 $0x11;
	s19 =	rddreg [dreg:$0x15];
	[sflag:s24] =	ssyncadd.s32 $0xFFFFE000  }
0x12e: {  	[hbm4b:s19+s4] =	stream.linear.scatter [tilespmem:s21], [sflag:$0x10], $0x2000, $0x38;
	[tilespmem:$0x18400] =	vst v63  }
0x12f: {  	_ =	swait.ge [sflag:s9], $0x2000  }
0x130: {  	[sflag:s9] =	ssyncset.done $0x0  }
0x131: {  	s16 =	simm.s32 $0x12;
	[sflag:s9] =	ssyncadd.s32 $0xFFFFE000  }
0x132: {  	_ =	swait.ge [sflag:s16], $0x2000  }
0x133: {  	[sflag:s16] =	ssyncset.done $0x0  }
0x134: {  	s17 =	simm.s32 $0x13;
	[sflag:s16] =	ssyncadd.s32 $0xFFFFE000  }
0x135: {  	_ =	swait.ge [sflag:s17], $0x2000  }
0x136: {  	[sflag:s17] =	ssyncset.done $0x0  }
0x137: {  	s19 =	simm.s32 $0x14;
	[sflag:s17] =	ssyncadd.s32 $0xFFFFE000  }
0x138: {  	_ =	swait.ge [sflag:s19], $0x2000  }
0x139: {  	[sflag:s19] =	ssyncset.done $0x0  }
0x13a: {  	[sflag:s19] =	ssyncadd.s32 $0xFFFFE000  }
0x13b: {  	_ =	swait.ge [sflag:s6], $0x2000  }
0x13c: {  	[sflag:s6] =	ssyncset.done $0x0  }
0x13d: {  	[sflag:s6] =	ssyncadd.s32 $0xFFFFE000  }
0x13e: {  	_ =	swait.ge [sflag:s7], $0x2000  }
0x13f: {  	[sflag:s7] =	ssyncset.done $0x0  }
0x140: {  	[sflag:s7] =	ssyncadd.s32 $0xFFFFE000  }
0x141: {  	_ =	swait.ge [sflag:s26], $0x2000  }
0x142: {  	[sflag:s26] =	ssyncset.done $0x0  }
0x143: {  	[sflag:s26] =	ssyncadd.s32 $0xFFFFE000  }
0x144: {  	_ =	swait.ge [sflag:s29], $0x2000  }
0x145: {  	[sflag:s29] =	ssyncset.done $0x0  }
0x146: {  	[sflag:s29] =	ssyncadd.s32 $0xFFFFE000  }
0x147: {  	_ =	swait.ge [sflag:s30], $0x2000  }
0x148: {  	[sflag:s30] =	ssyncset.done $0x0  }
0x149: {  	[sflag:s30] =	ssyncadd.s32 $0xFFFFE000  }
0x14a: {  	_ =	swait.ge [sflag:s2], $0x2000  }
0x14b: {  	[sflag:s2] =	ssyncset.done $0x0  }
0x14c: {  	p0 =	sne.s32 s31, $0x1;
	[sflag:s2] =	ssyncadd.s32 $0xFFFFE000  }
.Ltmp1:
0x14d: {  	_ =	swait.ge [sflag:s5], $0x2000;
	(pc) =	sbr.rel @p0 .LBB2_2-.Ltmp1, $4  }
0x14e: {  	[sflag:s5] =	ssyncset.done $0x0  }
0x14f: {  	[sflag:s5] =	ssyncadd.s32 $0xFFFFE000  }
0x150: {  	_ =	swait.ge [sflag:s15], $0x2000  }
0x151: {  	s31 =	sadd.s32 $0xFFFFFFFF, s31;
	[sflag:s15] =	ssyncset.done $0x0  }
.LBB2_3:
0x152: {  	[sflag:s15] =	ssyncadd.s32 $0xFFFFE000  }
0x153: {  	_ =	sfence.sel $0x180000  }
0x154: {  	[bflag:$0x0] =	sbarrier.arrive $0xFFFF  }
0x155: {  	_ =	strace $0x90000047  }
0x156: {  	s0 =	stileid.u32;
	[bflag:$0x2] =	sbarrier.arrive $0xFFFF  }
0x157: {  	p0 =	sne.s32 s0, $0x0;
	s0 =	rddreg [dreg:$0x4]  }
0x158: {  	s0 =	sadd.s32 @!p0 $0x100000, s0  }
0x159: {  	[sflag:s0] =	ssyncadd.tile.s32 @!p0 $0x1;
	_ =	shalt  }
.Lfunc_end2:
_tile_overlayer_lowered:
.L_overlay_start_2:
0x15a: {  	(tag) =	ssettag $0x2  }
0x15b: {  	s0 =	rddreg [dreg:$0x0];
	s2 =	stileid.u32  }
0x15c: {  	s1 =	rddreg [dreg:$0x1];
	p0 =	sne.s32 s2, $0x0  }
0x15d: {  	s3 =	rddreg [dreg:$0x2];
	[bflag:$0x3] =	sbarrier.arrive $0xFFFF;
	s2 =	simm.s32 @!p0 $0x1C19  }
0x15e: {  	[timem:s3], [sflag:s2] =	dma.local @!p0 [hbm:s0], s1  }
0x15f: {  	s0 =	simm.s32 @!p0 $0x19  }
0x160: {  	_ =	swait.ge @!p0 [sflag:s0], s1  }
0x161: {  	s1 =	ssub.s32 @!p0 $0x0, s1;
	[sflag:s0] =	ssyncset.done @!p0 $0x0  }
0x162: {  	[sflag:s0] =	ssyncadd.s32 @!p0 s1  }
0x163: {  	[bflag:$0x3] =	sbarrier.arrive $0xFFFF  }
0x164: {  	_ =	shalt  }

</sc_bundles>
